<compile_context>
chip_gen: v7x
topology: tpu7x:2x2x1
jax: 0.10.2.dev20260603
libtpu: 0.0.44.dev20260713+nightly
codegen_flags: <defaults>
</compile_context>

<pallas_src>
import jax
import jax.numpy as jnp
from jax import lax
from jax.experimental import pallas as pl
from jax.experimental.pallas import tpu as pltpu
from jax.experimental.pallas import tpu_sc as plsc

_B, _V, _T = 64, 100000, 2048
_ROWS_PER_W = 2
_CH = 25600
_SPANS = ((0, 25600), (25600, 25600), (51200, 25600))
_SP_LO, _SP_SZ = 76800, 23168
_NCH = _ROWS_PER_W * len(_SPANS)
_NB = 3


def _body(ids_hbm, scores_hbm, out_hbm, b0, b1, b2, sh,
          si0, si1, si2, so0, so1, so2, spi0, spi1, spo0, spo1):
    bufs = (b0, b1, b2)
    in_sems = (si0, si1, si2)
    out_sems = (so0, so1, so2)
    spin = (spi0, spi1)
    spout = (spo0, spo1)
    c = lax.axis_index("c")
    s = lax.axis_index("s")
    wid = s * 2 + c
    rows = [wid * _ROWS_PER_W + r for r in range(_ROWS_PER_W)]
    chunks = [(r,) + span for r in range(_ROWS_PER_W) for span in _SPANS]

    def start_in(k):
        r, lo, sz = chunks[k]
        return pltpu.async_copy(scores_hbm.at[rows[r]].at[pl.ds(lo, sz)],
                                bufs[k % _NB].at[pl.ds(0, sz)],
                                in_sems[k % _NB])

    in_desc = {}
    out_desc = {}
    sp_in = {}
    for r in range(_ROWS_PER_W):
        sp_in[r] = pltpu.async_copy(
            scores_hbm.at[rows[r]].at[pl.ds(_SP_LO, _SP_SZ)],
            sh.at[s].at[r], spin[r])
    for k in range(_NB):
        in_desc[k] = start_in(k)

    for k in range(_NCH):
        r, lo, sz = chunks[k]
        buf = bufs[k % _NB]
        in_desc[k].wait()
        out_desc[k] = pltpu.async_copy(buf.at[pl.ds(0, sz)],
                                       out_hbm.at[rows[r]].at[pl.ds(lo, sz)],
                                       out_sems[k % _NB])
        nk = k + 2
        if _NB <= nk < _NCH:
            out_desc[nk - _NB].wait()
            in_desc[nk] = start_in(nk)

    sp_out = {}
    for r in range(_ROWS_PER_W):
        sp_in[r].wait()
        sp_out[r] = pltpu.async_copy(
            sh.at[s].at[r],
            out_hbm.at[rows[r]].at[pl.ds(_SP_LO, _SP_SZ)], spout[r])

    for k in range(_NCH - _NB, _NCH):
        out_desc[k].wait()
    for r in range(_ROWS_PER_W):
        sp_out[r].wait()


@jax.jit
def _run(input_ids, scores):
    mesh = plsc.VectorSubcoreMesh(core_axis_name="c", subcore_axis_name="s")
    return pl.kernel(
        _body,
        mesh=mesh,
        out_type=jax.ShapeDtypeStruct((_B, _V), jnp.float32),
        scratch_types=[
            pltpu.VMEM((_CH,), jnp.float32),
            pltpu.VMEM((_CH,), jnp.float32),
            pltpu.VMEM((_CH,), jnp.float32),
            pltpu.VMEM_SHARED((16, _ROWS_PER_W, _SP_SZ), jnp.float32),
            pltpu.SemaphoreType.DMA,
            pltpu.SemaphoreType.DMA,
            pltpu.SemaphoreType.DMA,
            pltpu.SemaphoreType.DMA,
            pltpu.SemaphoreType.DMA,
            pltpu.SemaphoreType.DMA,
            pltpu.SemaphoreType.DMA,
            pltpu.SemaphoreType.DMA,
            pltpu.SemaphoreType.DMA,
            pltpu.SemaphoreType.DMA,
        ],
        compiler_params=pltpu.CompilerParams(needs_layout_passes=False),
    )(input_ids, scores)


def kernel(input_ids, scores):
    return _run(input_ids.astype(jnp.int32), scores)

# --- scband reference (transcript-rebuilt; emitter-appended) ---
"""Pipeline reference for scband-repetition-penalty-logits-processor-82179904242092 (READ-ONLY COPY).

The authoritative reference and input builder live on the scoring server;
editing this copy changes nothing except your own understanding.
"""

import jax, jax.numpy as jnp
import numpy as np

PENALTY = 1.2

def setup_inputs(seed: int = 0) -> dict:
    key = jax.random.key(seed)
    k1, k2 = jax.random.split(key)
    input_ids = jax.random.randint(k1, (64, 2048), 0, 100000, dtype=jnp.int64)
    scores = jax.random.normal(k2, (64, 100000), dtype=jnp.float32)
    return {"input_ids": input_ids, "scores": scores}

def reference(input_ids, scores):
    # gather previously-seen token logits
    score = jnp.take_along_axis(scores, input_ids, axis=1)
    # exponential repetition penalty
    score = jnp.where(score < 0, score * PENALTY, score / PENALTY)
    # scatter-overwrite back into the logits (duplicates write identical values)
    rows = jnp.arange(scores.shape[0])[:, None]
    out = scores.at[rows, input_ids].set(score)
    return out

if __name__ == "__main__":
    import jax
    _d = setup_inputs()
    print(jax.jit(kernel)(*tuple(_d.values())))

</pallas_src>

<mosaic_0001>
#map = affine_map<(d0, d1) -> (0, 0)>
module attributes {stable_mosaic.version = 14 : i64} {
  func.func @_body(%arg0: i32, %arg1: i32, %arg2: memref<64x2048xi32, #tpu.memory_space<hbm>>, %arg3: memref<64x100000xf32, #tpu.memory_space<hbm>>, %arg4: memref<64x100000xf32, #tpu.memory_space<hbm>>, %arg5: memref<25600xf32, #tpu.memory_space<vmem>>, %arg6: memref<25600xf32, #tpu.memory_space<vmem>>, %arg7: memref<25600xf32, #tpu.memory_space<vmem>>, %arg8: memref<16x2x23168xf32, #tpu.memory_space<vmem_shared>>, %arg9: memref<!tpu.dma_semaphore, #tpu.memory_space<semaphore_mem>>, %arg10: memref<!tpu.dma_semaphore, #tpu.memory_space<semaphore_mem>>, %arg11: memref<!tpu.dma_semaphore, #tpu.memory_space<semaphore_mem>>, %arg12: memref<!tpu.dma_semaphore, #tpu.memory_space<semaphore_mem>>, %arg13: memref<!tpu.dma_semaphore, #tpu.memory_space<semaphore_mem>>, %arg14: memref<!tpu.dma_semaphore, #tpu.memory_space<semaphore_mem>>, %arg15: memref<!tpu.dma_semaphore, #tpu.memory_space<semaphore_mem>>, %arg16: memref<!tpu.dma_semaphore, #tpu.memory_space<semaphore_mem>>, %arg17: memref<!tpu.dma_semaphore, #tpu.memory_space<semaphore_mem>>, %arg18: memref<!tpu.dma_semaphore, #tpu.memory_space<semaphore_mem>>) attributes {dimension_semantics = [#tpu.dimension_semantics<core_parallel>, #tpu.dimension_semantics<subcore_parallel>], iteration_bounds = array<i64: 2, 16>, scalar_prefetch = 0 : i64, scratch_operands = 14 : i64, tpu.core_type = #tpu.core_type<sc_vector_subcore>, window_params = [{transform_indices = #map}, {transform_indices = #map}, {transform_indices = #map}]} {
    %mul3A = arith.constant 2 : i32
    %mul3A_0 = arith.muli %arg1, %mul3A : i32
    %add3A = arith.addi %mul3A_0, %arg0 : i32
    %mul3A_1 = arith.constant 2 : i32
    %mul3A_2 = arith.muli %add3A, %mul3A_1 : i32
    %add3A_3 = arith.constant 0 : i32
    %add3A_4 = arith.addi %mul3A_2, %add3A_3 : i32
    %mul3A_5 = arith.constant 2 : i32
    %mul3A_6 = arith.muli %add3A, %mul3A_5 : i32
    %add3A_7 = arith.constant 1 : i32
    %add3A_8 = arith.addi %mul3A_6, %add3A_7 : i32
    %dma_start3A = arith.constant 0 : i32
    %dma_start3A_9 = arith.constant 0 : i32
    %dma_start3A_10 = arith.constant 0 : i32
    %dma_start3A_11 = tpu.memref_slice %arg8[%arg1, %dma_start3A_9, %dma_start3A_10] : memref<16x2x23168xf32, #tpu.memory_space<vmem_shared>> -> memref<1x2x23168xf32, #tpu.memory_space<vmem_shared>>
    %dma_start3A_12 = tpu.memref_squeeze %dma_start3A_11 : memref<1x2x23168xf32, #tpu.memory_space<vmem_shared>> -> memref<2x23168xf32, #tpu.memory_space<vmem_shared>>
    %dma_start3A_13 = arith.constant 0 : i32
    %dma_start3A_14 = tpu.memref_slice %dma_start3A_12[%dma_start3A, %dma_start3A_13] : memref<2x23168xf32, #tpu.memory_space<vmem_shared>> -> memref<1x23168xf32, #tpu.memory_space<vmem_shared>>
    %dma_start3A_15 = tpu.memref_squeeze %dma_start3A_14 : memref<1x23168xf32, #tpu.memory_space<vmem_shared>> -> memref<23168xf32, #tpu.memory_space<vmem_shared>>
    %dma_start3A_16 = arith.constant 0 : i32
    %dma_start3A_17 = tpu.memref_slice %arg3[%add3A_4, %dma_start3A_16] : memref<64x100000xf32, #tpu.memory_space<hbm>> -> memref<1x100000xf32, #tpu.memory_space<hbm>>
    %dma_start3A_18 = tpu.memref_squeeze %dma_start3A_17 : memref<1x100000xf32, #tpu.memory_space<hbm>> -> memref<100000xf32, #tpu.memory_space<hbm>>
    %dma_start3A_19 = arith.constant 76800 : i32
    %dma_start3A_20 = tpu.memref_slice %dma_start3A_18[%dma_start3A_19] : memref<100000xf32, #tpu.memory_space<hbm>> -> memref<23168xf32, #tpu.memory_space<hbm>>
    tpu.enqueue_dma source(%dma_start3A_20 : memref<23168xf32, #tpu.memory_space<hbm>>) target(%dma_start3A_15 : memref<23168xf32, #tpu.memory_space<vmem_shared>>) target_semaphore(%arg15 : memref<!tpu.dma_semaphore, #tpu.memory_space<semaphore_mem>>)
    %dma_start3A_21 = arith.constant 1 : i32
    %dma_start3A_22 = arith.constant 0 : i32
    %dma_start3A_23 = arith.constant 0 : i32
    %dma_start3A_24 = tpu.memref_slice %arg8[%arg1, %dma_start3A_22, %dma_start3A_23] : memref<16x2x23168xf32, #tpu.memory_space<vmem_shared>> -> memref<1x2x23168xf32, #tpu.memory_space<vmem_shared>>
    %dma_start3A_25 = tpu.memref_squeeze %dma_start3A_24 : memref<1x2x23168xf32, #tpu.memory_space<vmem_shared>> -> memref<2x23168xf32, #tpu.memory_space<vmem_shared>>
    %dma_start3A_26 = arith.constant 0 : i32
    %dma_start3A_27 = tpu.memref_slice %dma_start3A_25[%dma_start3A_21, %dma_start3A_26] : memref<2x23168xf32, #tpu.memory_space<vmem_shared>> -> memref<1x23168xf32, #tpu.memory_space<vmem_shared>>
    %dma_start3A_28 = tpu.memref_squeeze %dma_start3A_27 : memref<1x23168xf32, #tpu.memory_space<vmem_shared>> -> memref<23168xf32, #tpu.memory_space<vmem_shared>>
    %dma_start3A_29 = arith.constant 0 : i32
    %dma_start3A_30 = tpu.memref_slice %arg3[%add3A_8, %dma_start3A_29] : memref<64x100000xf32, #tpu.memory_space<hbm>> -> memref<1x100000xf32, #tpu.memory_space<hbm>>
    %dma_start3A_31 = tpu.memref_squeeze %dma_start3A_30 : memref<1x100000xf32, #tpu.memory_space<hbm>> -> memref<100000xf32, #tpu.memory_space<hbm>>
    %dma_start3A_32 = arith.constant 76800 : i32
    %dma_start3A_33 = tpu.memref_slice %dma_start3A_31[%dma_start3A_32] : memref<100000xf32, #tpu.memory_space<hbm>> -> memref<23168xf32, #tpu.memory_space<hbm>>
    tpu.enqueue_dma source(%dma_start3A_33 : memref<23168xf32, #tpu.memory_space<hbm>>) target(%dma_start3A_28 : memref<23168xf32, #tpu.memory_space<vmem_shared>>) target_semaphore(%arg16 : memref<!tpu.dma_semaphore, #tpu.memory_space<semaphore_mem>>)
    %dma_start3A_34 = arith.constant 0 : i32
    %dma_start3A_35 = tpu.memref_slice %arg5[%dma_start3A_34] : memref<25600xf32, #tpu.memory_space<vmem>> -> memref<25600xf32, #tpu.memory_space<vmem>>
    %dma_start3A_36 = arith.constant 0 : i32
    %dma_start3A_37 = tpu.memref_slice %arg3[%add3A_4, %dma_start3A_36] : memref<64x100000xf32, #tpu.memory_space<hbm>> -> memref<1x100000xf32, #tpu.memory_space<hbm>>
    %dma_start3A_38 = tpu.memref_squeeze %dma_start3A_37 : memref<1x100000xf32, #tpu.memory_space<hbm>> -> memref<100000xf32, #tpu.memory_space<hbm>>
    %dma_start3A_39 = arith.constant 0 : i32
    %dma_start3A_40 = tpu.memref_slice %dma_start3A_38[%dma_start3A_39] : memref<100000xf32, #tpu.memory_space<hbm>> -> memref<25600xf32, #tpu.memory_space<hbm>>
    %dma_start3A_41 = arith.constant 0 : i32
    %dma_start3A_42 = tpu.memref_slice %arg5[%dma_start3A_41] : memref<25600xf32, #tpu.memory_space<vmem>> -> memref<25600xf32, #tpu.memory_space<vmem>>
    %dma_start3A_43 = arith.constant 0 : i32
    %dma_start3A_44 = tpu.memref_slice %arg3[%add3A_4, %dma_start3A_43] : memref<64x100000xf32, #tpu.memory_space<hbm>> -> memref<1x100000xf32, #tpu.memory_space<hbm>>
    %dma_start3A_45 = tpu.memref_squeeze %dma_start3A_44 : memref<1x100000xf32, #tpu.memory_space<hbm>> -> memref<100000xf32, #tpu.memory_space<hbm>>
    %dma_start3A_46 = arith.constant 0 : i32
    %dma_start3A_47 = tpu.memref_slice %dma_start3A_45[%dma_start3A_46] : memref<100000xf32, #tpu.memory_space<hbm>> -> memref<25600xf32, #tpu.memory_space<hbm>>
    tpu.enqueue_dma source(%dma_start3A_47 : memref<25600xf32, #tpu.memory_space<hbm>>) target(%dma_start3A_42 : memref<25600xf32, #tpu.memory_space<vmem>>) target_semaphore(%arg9 : memref<!tpu.dma_semaphore, #tpu.memory_space<semaphore_mem>>)
    %dma_start3A_48 = arith.constant 0 : i32
    %dma_start3A_49 = tpu.memref_slice %arg6[%dma_start3A_48] : memref<25600xf32, #tpu.memory_space<vmem>> -> memref<25600xf32, #tpu.memory_space<vmem>>
    %dma_start3A_50 = arith.constant 0 : i32
    %dma_start3A_51 = tpu.memref_slice %arg3[%add3A_4, %dma_start3A_50] : memref<64x100000xf32, #tpu.memory_space<hbm>> -> memref<1x100000xf32, #tpu.memory_space<hbm>>
    %dma_start3A_52 = tpu.memref_squeeze %dma_start3A_51 : memref<1x100000xf32, #tpu.memory_space<hbm>> -> memref<100000xf32, #tpu.memory_space<hbm>>
    %dma_start3A_53 = arith.constant 25600 : i32
    %dma_start3A_54 = tpu.memref_slice %dma_start3A_52[%dma_start3A_53] : memref<100000xf32, #tpu.memory_space<hbm>> -> memref<25600xf32, #tpu.memory_space<hbm>>
    %dma_start3A_55 = arith.constant 0 : i32
    %dma_start3A_56 = tpu.memref_slice %arg6[%dma_start3A_55] : memref<25600xf32, #tpu.memory_space<vmem>> -> memref<25600xf32, #tpu.memory_space<vmem>>
    %dma_start3A_57 = arith.constant 0 : i32
    %dma_start3A_58 = tpu.memref_slice %arg3[%add3A_4, %dma_start3A_57] : memref<64x100000xf32, #tpu.memory_space<hbm>> -> memref<1x100000xf32, #tpu.memory_space<hbm>>
    %dma_start3A_59 = tpu.memref_squeeze %dma_start3A_58 : memref<1x100000xf32, #tpu.memory_space<hbm>> -> memref<100000xf32, #tpu.memory_space<hbm>>
    %dma_start3A_60 = arith.constant 25600 : i32
    %dma_start3A_61 = tpu.memref_slice %dma_start3A_59[%dma_start3A_60] : memref<100000xf32, #tpu.memory_space<hbm>> -> memref<25600xf32, #tpu.memory_space<hbm>>
    tpu.enqueue_dma source(%dma_start3A_61 : memref<25600xf32, #tpu.memory_space<hbm>>) target(%dma_start3A_56 : memref<25600xf32, #tpu.memory_space<vmem>>) target_semaphore(%arg10 : memref<!tpu.dma_semaphore, #tpu.memory_space<semaphore_mem>>)
    %dma_start3A_62 = arith.constant 0 : i32
    %dma_start3A_63 = tpu.memref_slice %arg7[%dma_start3A_62] : memref<25600xf32, #tpu.memory_space<vmem>> -> memref<25600xf32, #tpu.memory_space<vmem>>
    %dma_start3A_64 = arith.constant 0 : i32
    %dma_start3A_65 = tpu.memref_slice %arg3[%add3A_4, %dma_start3A_64] : memref<64x100000xf32, #tpu.memory_space<hbm>> -> memref<1x100000xf32, #tpu.memory_space<hbm>>
    %dma_start3A_66 = tpu.memref_squeeze %dma_start3A_65 : memref<1x100000xf32, #tpu.memory_space<hbm>> -> memref<100000xf32, #tpu.memory_space<hbm>>
    %dma_start3A_67 = arith.constant 51200 : i32
    %dma_start3A_68 = tpu.memref_slice %dma_start3A_66[%dma_start3A_67] : memref<100000xf32, #tpu.memory_space<hbm>> -> memref<25600xf32, #tpu.memory_space<hbm>>
    %dma_start3A_69 = arith.constant 0 : i32
    %dma_start3A_70 = tpu.memref_slice %arg7[%dma_start3A_69] : memref<25600xf32, #tpu.memory_space<vmem>> -> memref<25600xf32, #tpu.memory_space<vmem>>
    %dma_start3A_71 = arith.constant 0 : i32
    %dma_start3A_72 = tpu.memref_slice %arg3[%add3A_4, %dma_start3A_71] : memref<64x100000xf32, #tpu.memory_space<hbm>> -> memref<1x100000xf32, #tpu.memory_space<hbm>>
    %dma_start3A_73 = tpu.memref_squeeze %dma_start3A_72 : memref<1x100000xf32, #tpu.memory_space<hbm>> -> memref<100000xf32, #tpu.memory_space<hbm>>
    %dma_start3A_74 = arith.constant 51200 : i32
    %dma_start3A_75 = tpu.memref_slice %dma_start3A_73[%dma_start3A_74] : memref<100000xf32, #tpu.memory_space<hbm>> -> memref<25600xf32, #tpu.memory_space<hbm>>
    tpu.enqueue_dma source(%dma_start3A_75 : memref<25600xf32, #tpu.memory_space<hbm>>) target(%dma_start3A_70 : memref<25600xf32, #tpu.memory_space<vmem>>) target_semaphore(%arg11 : memref<!tpu.dma_semaphore, #tpu.memory_space<semaphore_mem>>)
    %dma_wait3A = arith.constant 0 : i32
    %dma_wait3A_76 = tpu.memref_slice %arg5[%dma_wait3A] : memref<25600xf32, #tpu.memory_space<vmem>> -> memref<25600xf32, #tpu.memory_space<vmem>>
    %dma_wait3A_77 = arith.constant 0 : i32
    %dma_wait3A_78 = tpu.memref_slice %arg3[%add3A_4, %dma_wait3A_77] : memref<64x100000xf32, #tpu.memory_space<hbm>> -> memref<1x100000xf32, #tpu.memory_space<hbm>>
    %dma_wait3A_79 = tpu.memref_squeeze %dma_wait3A_78 : memref<1x100000xf32, #tpu.memory_space<hbm>> -> memref<100000xf32, #tpu.memory_space<hbm>>
    %dma_wait3A_80 = arith.constant 0 : i32
    %dma_wait3A_81 = tpu.memref_slice %dma_wait3A_79[%dma_wait3A_80] : memref<100000xf32, #tpu.memory_space<hbm>> -> memref<25600xf32, #tpu.memory_space<hbm>>
    %dma_wait3A_82 = arith.constant 0 : i32
    %dma_wait3A_83 = tpu.memref_slice %arg5[%dma_wait3A_82] : memref<25600xf32, #tpu.memory_space<vmem>> -> memref<25600xf32, #tpu.memory_space<vmem>>
    %dma_wait3A_84 = arith.constant 0 : i32
    %dma_wait3A_85 = tpu.memref_slice %arg3[%add3A_4, %dma_wait3A_84] : memref<64x100000xf32, #tpu.memory_space<hbm>> -> memref<1x100000xf32, #tpu.memory_space<hbm>>
    %dma_wait3A_86 = tpu.memref_squeeze %dma_wait3A_85 : memref<1x100000xf32, #tpu.memory_space<hbm>> -> memref<100000xf32, #tpu.memory_space<hbm>>
    %dma_wait3A_87 = arith.constant 0 : i32
    %dma_wait3A_88 = tpu.memref_slice %dma_wait3A_86[%dma_wait3A_87] : memref<100000xf32, #tpu.memory_space<hbm>> -> memref<25600xf32, #tpu.memory_space<hbm>>
    tpu.wait_dma2 semaphore(%arg9 : memref<!tpu.dma_semaphore, #tpu.memory_space<semaphore_mem>>) src(%dma_wait3A_88 : memref<25600xf32, #tpu.memory_space<hbm>>) dst(%dma_wait3A_83 : memref<25600xf32, #tpu.memory_space<vmem>>)
    %dma_start3A_89 = arith.constant 0 : i32
    %dma_start3A_90 = tpu.memref_slice %arg5[%dma_start3A_89] : memref<25600xf32, #tpu.memory_space<vmem>> -> memref<25600xf32, #tpu.memory_space<vmem>>
    %dma_start3A_91 = arith.constant 0 : i32
    %dma_start3A_92 = tpu.memref_slice %arg4[%add3A_4, %dma_start3A_91] : memref<64x100000xf32, #tpu.memory_space<hbm>> -> memref<1x100000xf32, #tpu.memory_space<hbm>>
    %dma_start3A_93 = tpu.memref_squeeze %dma_start3A_92 : memref<1x100000xf32, #tpu.memory_space<hbm>> -> memref<100000xf32, #tpu.memory_space<hbm>>
    %dma_start3A_94 = arith.constant 0 : i32
    %dma_start3A_95 = tpu.memref_slice %dma_start3A_93[%dma_start3A_94] : memref<100000xf32, #tpu.memory_space<hbm>> -> memref<25600xf32, #tpu.memory_space<hbm>>
    %dma_start3A_96 = arith.constant 0 : i32
    %dma_start3A_97 = tpu.memref_slice %arg4[%add3A_4, %dma_start3A_96] : memref<64x100000xf32, #tpu.memory_space<hbm>> -> memref<1x100000xf32, #tpu.memory_space<hbm>>
    %dma_start3A_98 = tpu.memref_squeeze %dma_start3A_97 : memref<1x100000xf32, #tpu.memory_space<hbm>> -> memref<100000xf32, #tpu.memory_space<hbm>>
    %dma_start3A_99 = arith.constant 0 : i32
    %dma_start3A_100 = tpu.memref_slice %dma_start3A_98[%dma_start3A_99] : memref<100000xf32, #tpu.memory_space<hbm>> -> memref<25600xf32, #tpu.memory_space<hbm>>
    %dma_start3A_101 = arith.constant 0 : i32
    %dma_start3A_102 = tpu.memref_slice %arg5[%dma_start3A_101] : memref<25600xf32, #tpu.memory_space<vmem>> -> memref<25600xf32, #tpu.memory_space<vmem>>
    tpu.enqueue_dma source(%dma_start3A_102 : memref<25600xf32, #tpu.memory_space<vmem>>) target(%dma_start3A_100 : memref<25600xf32, #tpu.memory_space<hbm>>) target_semaphore(%arg12 : memref<!tpu.dma_semaphore, #tpu.memory_space<semaphore_mem>>)
    %dma_wait3A_103 = arith.constant 0 : i32
    %dma_wait3A_104 = tpu.memref_slice %arg6[%dma_wait3A_103] : memref<25600xf32, #tpu.memory_space<vmem>> -> memref<25600xf32, #tpu.memory_space<vmem>>
    %dma_wait3A_105 = arith.constant 0 : i32
    %dma_wait3A_106 = tpu.memref_slice %arg3[%add3A_4, %dma_wait3A_105] : memref<64x100000xf32, #tpu.memory_space<hbm>> -> memref<1x100000xf32, #tpu.memory_space<hbm>>
    %dma_wait3A_107 = tpu.memref_squeeze %dma_wait3A_106 : memref<1x100000xf32, #tpu.memory_space<hbm>> -> memref<100000xf32, #tpu.memory_space<hbm>>
    %dma_wait3A_108 = arith.constant 25600 : i32
    %dma_wait3A_109 = tpu.memref_slice %dma_wait3A_107[%dma_wait3A_108] : memref<100000xf32, #tpu.memory_space<hbm>> -> memref<25600xf32, #tpu.memory_space<hbm>>
    %dma_wait3A_110 = arith.constant 0 : i32
    %dma_wait3A_111 = tpu.memref_slice %arg6[%dma_wait3A_110] : memref<25600xf32, #tpu.memory_space<vmem>> -> memref<25600xf32, #tpu.memory_space<vmem>>
    %dma_wait3A_112 = arith.constant 0 : i32
    %dma_wait3A_113 = tpu.memref_slice %arg3[%add3A_4, %dma_wait3A_112] : memref<64x100000xf32, #tpu.memory_space<hbm>> -> memref<1x100000xf32, #tpu.memory_space<hbm>>
    %dma_wait3A_114 = tpu.memref_squeeze %dma_wait3A_113 : memref<1x100000xf32, #tpu.memory_space<hbm>> -> memref<100000xf32, #tpu.memory_space<hbm>>
    %dma_wait3A_115 = arith.constant 25600 : i32
    %dma_wait3A_116 = tpu.memref_slice %dma_wait3A_114[%dma_wait3A_115] : memref<100000xf32, #tpu.memory_space<hbm>> -> memref<25600xf32, #tpu.memory_space<hbm>>
    tpu.wait_dma2 semaphore(%arg10 : memref<!tpu.dma_semaphore, #tpu.memory_space<semaphore_mem>>) src(%dma_wait3A_116 : memref<25600xf32, #tpu.memory_space<hbm>>) dst(%dma_wait3A_111 : memref<25600xf32, #tpu.memory_space<vmem>>)
    %dma_start3A_117 = arith.constant 0 : i32
    %dma_start3A_118 = tpu.memref_slice %arg6[%dma_start3A_117] : memref<25600xf32, #tpu.memory_space<vmem>> -> memref<25600xf32, #tpu.memory_space<vmem>>
    %dma_start3A_119 = arith.constant 0 : i32
    %dma_start3A_120 = tpu.memref_slice %arg4[%add3A_4, %dma_start3A_119] : memref<64x100000xf32, #tpu.memory_space<hbm>> -> memref<1x100000xf32, #tpu.memory_space<hbm>>
    %dma_start3A_121 = tpu.memref_squeeze %dma_start3A_120 : memref<1x100000xf32, #tpu.memory_space<hbm>> -> memref<100000xf32, #tpu.memory_space<hbm>>
    %dma_start3A_122 = arith.constant 25600 : i32
    %dma_start3A_123 = tpu.memref_slice %dma_start3A_121[%dma_start3A_122] : memref<100000xf32, #tpu.memory_space<hbm>> -> memref<25600xf32, #tpu.memory_space<hbm>>
    %dma_start3A_124 = arith.constant 0 : i32
    %dma_start3A_125 = tpu.memref_slice %arg4[%add3A_4, %dma_start3A_124] : memref<64x100000xf32, #tpu.memory_space<hbm>> -> memref<1x100000xf32, #tpu.memory_space<hbm>>
    %dma_start3A_126 = tpu.memref_squeeze %dma_start3A_125 : memref<1x100000xf32, #tpu.memory_space<hbm>> -> memref<100000xf32, #tpu.memory_space<hbm>>
    %dma_start3A_127 = arith.constant 25600 : i32
    %dma_start3A_128 = tpu.memref_slice %dma_start3A_126[%dma_start3A_127] : memref<100000xf32, #tpu.memory_space<hbm>> -> memref<25600xf32, #tpu.memory_space<hbm>>
    %dma_start3A_129 = arith.constant 0 : i32
    %dma_start3A_130 = tpu.memref_slice %arg6[%dma_start3A_129] : memref<25600xf32, #tpu.memory_space<vmem>> -> memref<25600xf32, #tpu.memory_space<vmem>>
    tpu.enqueue_dma source(%dma_start3A_130 : memref<25600xf32, #tpu.memory_space<vmem>>) target(%dma_start3A_128 : memref<25600xf32, #tpu.memory_space<hbm>>) target_semaphore(%arg13 : memref<!tpu.dma_semaphore, #tpu.memory_space<semaphore_mem>>)
    %dma_wait3A_131 = arith.constant 0 : i32
    %dma_wait3A_132 = tpu.memref_slice %arg5[%dma_wait3A_131] : memref<25600xf32, #tpu.memory_space<vmem>> -> memref<25600xf32, #tpu.memory_space<vmem>>
    %dma_wait3A_133 = arith.constant 0 : i32
    %dma_wait3A_134 = tpu.memref_slice %arg4[%add3A_4, %dma_wait3A_133] : memref<64x100000xf32, #tpu.memory_space<hbm>> -> memref<1x100000xf32, #tpu.memory_space<hbm>>
    %dma_wait3A_135 = tpu.memref_squeeze %dma_wait3A_134 : memref<1x100000xf32, #tpu.memory_space<hbm>> -> memref<100000xf32, #tpu.memory_space<hbm>>
    %dma_wait3A_136 = arith.constant 0 : i32
    %dma_wait3A_137 = tpu.memref_slice %dma_wait3A_135[%dma_wait3A_136] : memref<100000xf32, #tpu.memory_space<hbm>> -> memref<25600xf32, #tpu.memory_space<hbm>>
    %dma_wait3A_138 = arith.constant 0 : i32
    %dma_wait3A_139 = tpu.memref_slice %arg4[%add3A_4, %dma_wait3A_138] : memref<64x100000xf32, #tpu.memory_space<hbm>> -> memref<1x100000xf32, #tpu.memory_space<hbm>>
    %dma_wait3A_140 = tpu.memref_squeeze %dma_wait3A_139 : memref<1x100000xf32, #tpu.memory_space<hbm>> -> memref<100000xf32, #tpu.memory_space<hbm>>
    %dma_wait3A_141 = arith.constant 0 : i32
    %dma_wait3A_142 = tpu.memref_slice %dma_wait3A_140[%dma_wait3A_141] : memref<100000xf32, #tpu.memory_space<hbm>> -> memref<25600xf32, #tpu.memory_space<hbm>>
    %dma_wait3A_143 = arith.constant 0 : i32
    %dma_wait3A_144 = tpu.memref_slice %arg5[%dma_wait3A_143] : memref<25600xf32, #tpu.memory_space<vmem>> -> memref<25600xf32, #tpu.memory_space<vmem>>
    tpu.wait_dma2 semaphore(%arg12 : memref<!tpu.dma_semaphore, #tpu.memory_space<semaphore_mem>>) src(%dma_wait3A_144 : memref<25600xf32, #tpu.memory_space<vmem>>) dst(%dma_wait3A_142 : memref<25600xf32, #tpu.memory_space<hbm>>)
    %dma_start3A_145 = arith.constant 0 : i32
    %dma_start3A_146 = tpu.memref_slice %arg5[%dma_start3A_145] : memref<25600xf32, #tpu.memory_space<vmem>> -> memref<25600xf32, #tpu.memory_space<vmem>>
    %dma_start3A_147 = arith.constant 0 : i32
    %dma_start3A_148 = tpu.memref_slice %arg3[%add3A_8, %dma_start3A_147] : memref<64x100000xf32, #tpu.memory_space<hbm>> -> memref<1x100000xf32, #tpu.memory_space<hbm>>
    %dma_start3A_149 = tpu.memref_squeeze %dma_start3A_148 : memref<1x100000xf32, #tpu.memory_space<hbm>> -> memref<100000xf32, #tpu.memory_space<hbm>>
    %dma_start3A_150 = arith.constant 0 : i32
    %dma_start3A_151 = tpu.memref_slice %dma_start3A_149[%dma_start3A_150] : memref<100000xf32, #tpu.memory_space<hbm>> -> memref<25600xf32, #tpu.memory_space<hbm>>
    %dma_start3A_152 = arith.constant 0 : i32
    %dma_start3A_153 = tpu.memref_slice %arg5[%dma_start3A_152] : memref<25600xf32, #tpu.memory_space<vmem>> -> memref<25600xf32, #tpu.memory_space<vmem>>
    %dma_start3A_154 = arith.constant 0 : i32
    %dma_start3A_155 = tpu.memref_slice %arg3[%add3A_8, %dma_start3A_154] : memref<64x100000xf32, #tpu.memory_space<hbm>> -> memref<1x100000xf32, #tpu.memory_space<hbm>>
    %dma_start3A_156 = tpu.memref_squeeze %dma_start3A_155 : memref<1x100000xf32, #tpu.memory_space<hbm>> -> memref<100000xf32, #tpu.memory_space<hbm>>
    %dma_start3A_157 = arith.constant 0 : i32
    %dma_start3A_158 = tpu.memref_slice %dma_start3A_156[%dma_start3A_157] : memref<100000xf32, #tpu.memory_space<hbm>> -> memref<25600xf32, #tpu.memory_space<hbm>>
    tpu.enqueue_dma source(%dma_start3A_158 : memref<25600xf32, #tpu.memory_space<hbm>>) target(%dma_start3A_153 : memref<25600xf32, #tpu.memory_space<vmem>>) target_semaphore(%arg9 : memref<!tpu.dma_semaphore, #tpu.memory_space<semaphore_mem>>)
    %dma_wait3A_159 = arith.constant 0 : i32
    %dma_wait3A_160 = tpu.memref_slice %arg7[%dma_wait3A_159] : memref<25600xf32, #tpu.memory_space<vmem>> -> memref<25600xf32, #tpu.memory_space<vmem>>
    %dma_wait3A_161 = arith.constant 0 : i32
    %dma_wait3A_162 = tpu.memref_slice %arg3[%add3A_4, %dma_wait3A_161] : memref<64x100000xf32, #tpu.memory_space<hbm>> -> memref<1x100000xf32, #tpu.memory_space<hbm>>
    %dma_wait3A_163 = tpu.memref_squeeze %dma_wait3A_162 : memref<1x100000xf32, #tpu.memory_space<hbm>> -> memref<100000xf32, #tpu.memory_space<hbm>>
    %dma_wait3A_164 = arith.constant 51200 : i32
    %dma_wait3A_165 = tpu.memref_slice %dma_wait3A_163[%dma_wait3A_164] : memref<100000xf32, #tpu.memory_space<hbm>> -> memref<25600xf32, #tpu.memory_space<hbm>>
    %dma_wait3A_166 = arith.constant 0 : i32
    %dma_wait3A_167 = tpu.memref_slice %arg7[%dma_wait3A_166] : memref<25600xf32, #tpu.memory_space<vmem>> -> memref<25600xf32, #tpu.memory_space<vmem>>
    %dma_wait3A_168 = arith.constant 0 : i32
    %dma_wait3A_169 = tpu.memref_slice %arg3[%add3A_4, %dma_wait3A_168] : memref<64x100000xf32, #tpu.memory_space<hbm>> -> memref<1x100000xf32, #tpu.memory_space<hbm>>
    %dma_wait3A_170 = tpu.memref_squeeze %dma_wait3A_169 : memref<1x100000xf32, #tpu.memory_space<hbm>> -> memref<100000xf32, #tpu.memory_space<hbm>>
    %dma_wait3A_171 = arith.constant 51200 : i32
    %dma_wait3A_172 = tpu.memref_slice %dma_wait3A_170[%dma_wait3A_171] : memref<100000xf32, #tpu.memory_space<hbm>> -> memref<25600xf32, #tpu.memory_space<hbm>>
    tpu.wait_dma2 semaphore(%arg11 : memref<!tpu.dma_semaphore, #tpu.memory_space<semaphore_mem>>) src(%dma_wait3A_172 : memref<25600xf32, #tpu.memory_space<hbm>>) dst(%dma_wait3A_167 : memref<25600xf32, #tpu.memory_space<vmem>>)
    %dma_start3A_173 = arith.constant 0 : i32
    %dma_start3A_174 = tpu.memref_slice %arg7[%dma_start3A_173] : memref<25600xf32, #tpu.memory_space<vmem>> -> memref<25600xf32, #tpu.memory_space<vmem>>
    %dma_start3A_175 = arith.constant 0 : i32
    %dma_start3A_176 = tpu.memref_slice %arg4[%add3A_4, %dma_start3A_175] : memref<64x100000xf32, #tpu.memory_space<hbm>> -> memref<1x100000xf32, #tpu.memory_space<hbm>>
    %dma_start3A_177 = tpu.memref_squeeze %dma_start3A_176 : memref<1x100000xf32, #tpu.memory_space<hbm>> -> memref<100000xf32, #tpu.memory_space<hbm>>
    %dma_start3A_178 = arith.constant 51200 : i32
    %dma_start3A_179 = tpu.memref_slice %dma_start3A_177[%dma_start3A_178] : memref<100000xf32, #tpu.memory_space<hbm>> -> memref<25600xf32, #tpu.memory_space<hbm>>
    %dma_start3A_180 = arith.constant 0 : i32
    %dma_start3A_181 = tpu.memref_slice %arg4[%add3A_4, %dma_start3A_180] : memref<64x100000xf32, #tpu.memory_space<hbm>> -> memref<1x100000xf32, #tpu.memory_space<hbm>>
    %dma_start3A_182 = tpu.memref_squeeze %dma_start3A_181 : memref<1x100000xf32, #tpu.memory_space<hbm>> -> memref<100000xf32, #tpu.memory_space<hbm>>
    %dma_start3A_183 = arith.constant 51200 : i32
    %dma_start3A_184 = tpu.memref_slice %dma_start3A_182[%dma_start3A_183] : memref<100000xf32, #tpu.memory_space<hbm>> -> memref<25600xf32, #tpu.memory_space<hbm>>
    %dma_start3A_185 = arith.constant 0 : i32
    %dma_start3A_186 = tpu.memref_slice %arg7[%dma_start3A_185] : memref<25600xf32, #tpu.memory_space<vmem>> -> memref<25600xf32, #tpu.memory_space<vmem>>
    tpu.enqueue_dma source(%dma_start3A_186 : memref<25600xf32, #tpu.memory_space<vmem>>) target(%dma_start3A_184 : memref<25600xf32, #tpu.memory_space<hbm>>) target_semaphore(%arg14 : memref<!tpu.dma_semaphore, #tpu.memory_space<semaphore_mem>>)
    %dma_wait3A_187 = arith.constant 0 : i32
    %dma_wait3A_188 = tpu.memref_slice %arg6[%dma_wait3A_187] : memref<25600xf32, #tpu.memory_space<vmem>> -> memref<25600xf32, #tpu.memory_space<vmem>>
    %dma_wait3A_189 = arith.constant 0 : i32
    %dma_wait3A_190 = tpu.memref_slice %arg4[%add3A_4, %dma_wait3A_189] : memref<64x100000xf32, #tpu.memory_space<hbm>> -> memref<1x100000xf32, #tpu.memory_space<hbm>>
    %dma_wait3A_191 = tpu.memref_squeeze %dma_wait3A_190 : memref<1x100000xf32, #tpu.memory_space<hbm>> -> memref<100000xf32, #tpu.memory_space<hbm>>
    %dma_wait3A_192 = arith.constant 25600 : i32
    %dma_wait3A_193 = tpu.memref_slice %dma_wait3A_191[%dma_wait3A_192] : memref<100000xf32, #tpu.memory_space<hbm>> -> memref<25600xf32, #tpu.memory_space<hbm>>
    %dma_wait3A_194 = arith.constant 0 : i32
    %dma_wait3A_195 = tpu.memref_slice %arg4[%add3A_4, %dma_wait3A_194] : memref<64x100000xf32, #tpu.memory_space<hbm>> -> memref<1x100000xf32, #tpu.memory_space<hbm>>
    %dma_wait3A_196 = tpu.memref_squeeze %dma_wait3A_195 : memref<1x100000xf32, #tpu.memory_space<hbm>> -> memref<100000xf32, #tpu.memory_space<hbm>>
    %dma_wait3A_197 = arith.constant 25600 : i32
    %dma_wait3A_198 = tpu.memref_slice %dma_wait3A_196[%dma_wait3A_197] : memref<100000xf32, #tpu.memory_space<hbm>> -> memref<25600xf32, #tpu.memory_space<hbm>>
    %dma_wait3A_199 = arith.constant 0 : i32
    %dma_wait3A_200 = tpu.memref_slice %arg6[%dma_wait3A_199] : memref<25600xf32, #tpu.memory_space<vmem>> -> memref<25600xf32, #tpu.memory_space<vmem>>
    tpu.wait_dma2 semaphore(%arg13 : memref<!tpu.dma_semaphore, #tpu.memory_space<semaphore_mem>>) src(%dma_wait3A_200 : memref<25600xf32, #tpu.memory_space<vmem>>) dst(%dma_wait3A_198 : memref<25600xf32, #tpu.memory_space<hbm>>)
    %dma_start3A_201 = arith.constant 0 : i32
    %dma_start3A_202 = tpu.memref_slice %arg6[%dma_start3A_201] : memref<25600xf32, #tpu.memory_space<vmem>> -> memref<25600xf32, #tpu.memory_space<vmem>>
    %dma_start3A_203 = arith.constant 0 : i32
    %dma_start3A_204 = tpu.memref_slice %arg3[%add3A_8, %dma_start3A_203] : memref<64x100000xf32, #tpu.memory_space<hbm>> -> memref<1x100000xf32, #tpu.memory_space<hbm>>
    %dma_start3A_205 = tpu.memref_squeeze %dma_start3A_204 : memref<1x100000xf32, #tpu.memory_space<hbm>> -> memref<100000xf32, #tpu.memory_space<hbm>>
    %dma_start3A_206 = arith.constant 25600 : i32
    %dma_start3A_207 = tpu.memref_slice %dma_start3A_205[%dma_start3A_206] : memref<100000xf32, #tpu.memory_space<hbm>> -> memref<25600xf32, #tpu.memory_space<hbm>>
    %dma_start3A_208 = arith.constant 0 : i32
    %dma_start3A_209 = tpu.memref_slice %arg6[%dma_start3A_208] : memref<25600xf32, #tpu.memory_space<vmem>> -> memref<25600xf32, #tpu.memory_space<vmem>>
    %dma_start3A_210 = arith.constant 0 : i32
    %dma_start3A_211 = tpu.memref_slice %arg3[%add3A_8, %dma_start3A_210] : memref<64x100000xf32, #tpu.memory_space<hbm>> -> memref<1x100000xf32, #tpu.memory_space<hbm>>
    %dma_start3A_212 = tpu.memref_squeeze %dma_start3A_211 : memref<1x100000xf32, #tpu.memory_space<hbm>> -> memref<100000xf32, #tpu.memory_space<hbm>>
    %dma_start3A_213 = arith.constant 25600 : i32
    %dma_start3A_214 = tpu.memref_slice %dma_start3A_212[%dma_start3A_213] : memref<100000xf32, #tpu.memory_space<hbm>> -> memref<25600xf32, #tpu.memory_space<hbm>>
    tpu.enqueue_dma source(%dma_start3A_214 : memref<25600xf32, #tpu.memory_space<hbm>>) target(%dma_start3A_209 : memref<25600xf32, #tpu.memory_space<vmem>>) target_semaphore(%arg10 : memref<!tpu.dma_semaphore, #tpu.memory_space<semaphore_mem>>)
    %dma_wait3A_215 = arith.constant 0 : i32
    %dma_wait3A_216 = tpu.memref_slice %arg5[%dma_wait3A_215] : memref<25600xf32, #tpu.memory_space<vmem>> -> memref<25600xf32, #tpu.memory_space<vmem>>
    %dma_wait3A_217 = arith.constant 0 : i32
    %dma_wait3A_218 = tpu.memref_slice %arg3[%add3A_8, %dma_wait3A_217] : memref<64x100000xf32, #tpu.memory_space<hbm>> -> memref<1x100000xf32, #tpu.memory_space<hbm>>
    %dma_wait3A_219 = tpu.memref_squeeze %dma_wait3A_218 : memref<1x100000xf32, #tpu.memory_space<hbm>> -> memref<100000xf32, #tpu.memory_space<hbm>>
    %dma_wait3A_220 = arith.constant 0 : i32
    %dma_wait3A_221 = tpu.memref_slice %dma_wait3A_219[%dma_wait3A_220] : memref<100000xf32, #tpu.memory_space<hbm>> -> memref<25600xf32, #tpu.memory_space<hbm>>
    %dma_wait3A_222 = arith.constant 0 : i32
    %dma_wait3A_223 = tpu.memref_slice %arg5[%dma_wait3A_222] : memref<25600xf32, #tpu.memory_space<vmem>> -> memref<25600xf32, #tpu.memory_space<vmem>>
    %dma_wait3A_224 = arith.constant 0 : i32
    %dma_wait3A_225 = tpu.memref_slice %arg3[%add3A_8, %dma_wait3A_224] : memref<64x100000xf32, #tpu.memory_space<hbm>> -> memref<1x100000xf32, #tpu.memory_space<hbm>>
    %dma_wait3A_226 = tpu.memref_squeeze %dma_wait3A_225 : memref<1x100000xf32, #tpu.memory_space<hbm>> -> memref<100000xf32, #tpu.memory_space<hbm>>
    %dma_wait3A_227 = arith.constant 0 : i32
    %dma_wait3A_228 = tpu.memref_slice %dma_wait3A_226[%dma_wait3A_227] : memref<100000xf32, #tpu.memory_space<hbm>> -> memref<25600xf32, #tpu.memory_space<hbm>>
    tpu.wait_dma2 semaphore(%arg9 : memref<!tpu.dma_semaphore, #tpu.memory_space<semaphore_mem>>) src(%dma_wait3A_228 : memref<25600xf32, #tpu.memory_space<hbm>>) dst(%dma_wait3A_223 : memref<25600xf32, #tpu.memory_space<vmem>>)
    %dma_start3A_229 = arith.constant 0 : i32
    %dma_start3A_230 = tpu.memref_slice %arg5[%dma_start3A_229] : memref<25600xf32, #tpu.memory_space<vmem>> -> memref<25600xf32, #tpu.memory_space<vmem>>
    %dma_start3A_231 = arith.constant 0 : i32
    %dma_start3A_232 = tpu.memref_slice %arg4[%add3A_8, %dma_start3A_231] : memref<64x100000xf32, #tpu.memory_space<hbm>> -> memref<1x100000xf32, #tpu.memory_space<hbm>>
    %dma_start3A_233 = tpu.memref_squeeze %dma_start3A_232 : memref<1x100000xf32, #tpu.memory_space<hbm>> -> memref<100000xf32, #tpu.memory_space<hbm>>
    %dma_start3A_234 = arith.constant 0 : i32
    %dma_start3A_235 = tpu.memref_slice %dma_start3A_233[%dma_start3A_234] : memref<100000xf32, #tpu.memory_space<hbm>> -> memref<25600xf32, #tpu.memory_space<hbm>>
    %dma_start3A_236 = arith.constant 0 : i32
    %dma_start3A_237 = tpu.memref_slice %arg4[%add3A_8, %dma_start3A_236] : memref<64x100000xf32, #tpu.memory_space<hbm>> -> memref<1x100000xf32, #tpu.memory_space<hbm>>
    %dma_start3A_238 = tpu.memref_squeeze %dma_start3A_237 : memref<1x100000xf32, #tpu.memory_space<hbm>> -> memref<100000xf32, #tpu.memory_space<hbm>>
    %dma_start3A_239 = arith.constant 0 : i32
    %dma_start3A_240 = tpu.memref_slice %dma_start3A_238[%dma_start3A_239] : memref<100000xf32, #tpu.memory_space<hbm>> -> memref<25600xf32, #tpu.memory_space<hbm>>
    %dma_start3A_241 = arith.constant 0 : i32
    %dma_start3A_242 = tpu.memref_slice %arg5[%dma_start3A_241] : memref<25600xf32, #tpu.memory_space<vmem>> -> memref<25600xf32, #tpu.memory_space<vmem>>
    tpu.enqueue_dma source(%dma_start3A_242 : memref<25600xf32, #tpu.memory_space<vmem>>) target(%dma_start3A_240 : memref<25600xf32, #tpu.memory_space<hbm>>) target_semaphore(%arg12 : memref<!tpu.dma_semaphore, #tpu.memory_space<semaphore_mem>>)
    %dma_wait3A_243 = arith.constant 0 : i32
    %dma_wait3A_244 = tpu.memref_slice %arg7[%dma_wait3A_243] : memref<25600xf32, #tpu.memory_space<vmem>> -> memref<25600xf32, #tpu.memory_space<vmem>>
    %dma_wait3A_245 = arith.constant 0 : i32
    %dma_wait3A_246 = tpu.memref_slice %arg4[%add3A_4, %dma_wait3A_245] : memref<64x100000xf32, #tpu.memory_space<hbm>> -> memref<1x100000xf32, #tpu.memory_space<hbm>>
    %dma_wait3A_247 = tpu.memref_squeeze %dma_wait3A_246 : memref<1x100000xf32, #tpu.memory_space<hbm>> -> memref<100000xf32, #tpu.memory_space<hbm>>
    %dma_wait3A_248 = arith.constant 51200 : i32
    %dma_wait3A_249 = tpu.memref_slice %dma_wait3A_247[%dma_wait3A_248] : memref<100000xf32, #tpu.memory_space<hbm>> -> memref<25600xf32, #tpu.memory_space<hbm>>
    %dma_wait3A_250 = arith.constant 0 : i32
    %dma_wait3A_251 = tpu.memref_slice %arg4[%add3A_4, %dma_wait3A_250] : memref<64x100000xf32, #tpu.memory_space<hbm>> -> memref<1x100000xf32, #tpu.memory_space<hbm>>
    %dma_wait3A_252 = tpu.memref_squeeze %dma_wait3A_251 : memref<1x100000xf32, #tpu.memory_space<hbm>> -> memref<100000xf32, #tpu.memory_space<hbm>>
    %dma_wait3A_253 = arith.constant 51200 : i32
    %dma_wait3A_254 = tpu.memref_slice %dma_wait3A_252[%dma_wait3A_253] : memref<100000xf32, #tpu.memory_space<hbm>> -> memref<25600xf32, #tpu.memory_space<hbm>>
    %dma_wait3A_255 = arith.constant 0 : i32
    %dma_wait3A_256 = tpu.memref_slice %arg7[%dma_wait3A_255] : memref<25600xf32, #tpu.memory_space<vmem>> -> memref<25600xf32, #tpu.memory_space<vmem>>
    tpu.wait_dma2 semaphore(%arg14 : memref<!tpu.dma_semaphore, #tpu.memory_space<semaphore_mem>>) src(%dma_wait3A_256 : memref<25600xf32, #tpu.memory_space<vmem>>) dst(%dma_wait3A_254 : memref<25600xf32, #tpu.memory_space<hbm>>)
    %dma_start3A_257 = arith.constant 0 : i32
    %dma_start3A_258 = tpu.memref_slice %arg7[%dma_start3A_257] : memref<25600xf32, #tpu.memory_space<vmem>> -> memref<25600xf32, #tpu.memory_space<vmem>>
    %dma_start3A_259 = arith.constant 0 : i32
    %dma_start3A_260 = tpu.memref_slice %arg3[%add3A_8, %dma_start3A_259] : memref<64x100000xf32, #tpu.memory_space<hbm>> -> memref<1x100000xf32, #tpu.memory_space<hbm>>
    %dma_start3A_261 = tpu.memref_squeeze %dma_start3A_260 : memref<1x100000xf32, #tpu.memory_space<hbm>> -> memref<100000xf32, #tpu.memory_space<hbm>>
    %dma_start3A_262 = arith.constant 51200 : i32
    %dma_start3A_263 = tpu.memref_slice %dma_start3A_261[%dma_start3A_262] : memref<100000xf32, #tpu.memory_space<hbm>> -> memref<25600xf32, #tpu.memory_space<hbm>>
    %dma_start3A_264 = arith.constant 0 : i32
    %dma_start3A_265 = tpu.memref_slice %arg7[%dma_start3A_264] : memref<25600xf32, #tpu.memory_space<vmem>> -> memref<25600xf32, #tpu.memory_space<vmem>>
    %dma_start3A_266 = arith.constant 0 : i32
    %dma_start3A_267 = tpu.memref_slice %arg3[%add3A_8, %dma_start3A_266] : memref<64x100000xf32, #tpu.memory_space<hbm>> -> memref<1x100000xf32, #tpu.memory_space<hbm>>
    %dma_start3A_268 = tpu.memref_squeeze %dma_start3A_267 : memref<1x100000xf32, #tpu.memory_space<hbm>> -> memref<100000xf32, #tpu.memory_space<hbm>>
    %dma_start3A_269 = arith.constant 51200 : i32
    %dma_start3A_270 = tpu.memref_slice %dma_start3A_268[%dma_start3A_269] : memref<100000xf32, #tpu.memory_space<hbm>> -> memref<25600xf32, #tpu.memory_space<hbm>>
    tpu.enqueue_dma source(%dma_start3A_270 : memref<25600xf32, #tpu.memory_space<hbm>>) target(%dma_start3A_265 : memref<25600xf32, #tpu.memory_space<vmem>>) target_semaphore(%arg11 : memref<!tpu.dma_semaphore, #tpu.memory_space<semaphore_mem>>)
    %dma_wait3A_271 = arith.constant 0 : i32
    %dma_wait3A_272 = tpu.memref_slice %arg6[%dma_wait3A_271] : memref<25600xf32, #tpu.memory_space<vmem>> -> memref<25600xf32, #tpu.memory_space<vmem>>
    %dma_wait3A_273 = arith.constant 0 : i32
    %dma_wait3A_274 = tpu.memref_slice %arg3[%add3A_8, %dma_wait3A_273] : memref<64x100000xf32, #tpu.memory_space<hbm>> -> memref<1x100000xf32, #tpu.memory_space<hbm>>
    %dma_wait3A_275 = tpu.memref_squeeze %dma_wait3A_274 : memref<1x100000xf32, #tpu.memory_space<hbm>> -> memref<100000xf32, #tpu.memory_space<hbm>>
    %dma_wait3A_276 = arith.constant 25600 : i32
    %dma_wait3A_277 = tpu.memref_slice %dma_wait3A_275[%dma_wait3A_276] : memref<100000xf32, #tpu.memory_space<hbm>> -> memref<25600xf32, #tpu.memory_space<hbm>>
    %dma_wait3A_278 = arith.constant 0 : i32
    %dma_wait3A_279 = tpu.memref_slice %arg6[%dma_wait3A_278] : memref<25600xf32, #tpu.memory_space<vmem>> -> memref<25600xf32, #tpu.memory_space<vmem>>
    %dma_wait3A_280 = arith.constant 0 : i32
    %dma_wait3A_281 = tpu.memref_slice %arg3[%add3A_8, %dma_wait3A_280] : memref<64x100000xf32, #tpu.memory_space<hbm>> -> memref<1x100000xf32, #tpu.memory_space<hbm>>
    %dma_wait3A_282 = tpu.memref_squeeze %dma_wait3A_281 : memref<1x100000xf32, #tpu.memory_space<hbm>> -> memref<100000xf32, #tpu.memory_space<hbm>>
    %dma_wait3A_283 = arith.constant 25600 : i32
    %dma_wait3A_284 = tpu.memref_slice %dma_wait3A_282[%dma_wait3A_283] : memref<100000xf32, #tpu.memory_space<hbm>> -> memref<25600xf32, #tpu.memory_space<hbm>>
    tpu.wait_dma2 semaphore(%arg10 : memref<!tpu.dma_semaphore, #tpu.memory_space<semaphore_mem>>) src(%dma_wait3A_284 : memref<25600xf32, #tpu.memory_space<hbm>>) dst(%dma_wait3A_279 : memref<25600xf32, #tpu.memory_space<vmem>>)
    %dma_start3A_285 = arith.constant 0 : i32
    %dma_start3A_286 = tpu.memref_slice %arg6[%dma_start3A_285] : memref<25600xf32, #tpu.memory_space<vmem>> -> memref<25600xf32, #tpu.memory_space<vmem>>
    %dma_start3A_287 = arith.constant 0 : i32
    %dma_start3A_288 = tpu.memref_slice %arg4[%add3A_8, %dma_start3A_287] : memref<64x100000xf32, #tpu.memory_space<hbm>> -> memref<1x100000xf32, #tpu.memory_space<hbm>>
    %dma_start3A_289 = tpu.memref_squeeze %dma_start3A_288 : memref<1x100000xf32, #tpu.memory_space<hbm>> -> memref<100000xf32, #tpu.memory_space<hbm>>
    %dma_start3A_290 = arith.constant 25600 : i32
    %dma_start3A_291 = tpu.memref_slice %dma_start3A_289[%dma_start3A_290] : memref<100000xf32, #tpu.memory_space<hbm>> -> memref<25600xf32, #tpu.memory_space<hbm>>
    %dma_start3A_292 = arith.constant 0 : i32
    %dma_start3A_293 = tpu.memref_slice %arg4[%add3A_8, %dma_start3A_292] : memref<64x100000xf32, #tpu.memory_space<hbm>> -> memref<1x100000xf32, #tpu.memory_space<hbm>>
    %dma_start3A_294 = tpu.memref_squeeze %dma_start3A_293 : memref<1x100000xf32, #tpu.memory_space<hbm>> -> memref<100000xf32, #tpu.memory_space<hbm>>
    %dma_start3A_295 = arith.constant 25600 : i32
    %dma_start3A_296 = tpu.memref_slice %dma_start3A_294[%dma_start3A_295] : memref<100000xf32, #tpu.memory_space<hbm>> -> memref<25600xf32, #tpu.memory_space<hbm>>
    %dma_start3A_297 = arith.constant 0 : i32
    %dma_start3A_298 = tpu.memref_slice %arg6[%dma_start3A_297] : memref<25600xf32, #tpu.memory_space<vmem>> -> memref<25600xf32, #tpu.memory_space<vmem>>
    tpu.enqueue_dma source(%dma_start3A_298 : memref<25600xf32, #tpu.memory_space<vmem>>) target(%dma_start3A_296 : memref<25600xf32, #tpu.memory_space<hbm>>) target_semaphore(%arg13 : memref<!tpu.dma_semaphore, #tpu.memory_space<semaphore_mem>>)
    %dma_wait3A_299 = arith.constant 0 : i32
    %dma_wait3A_300 = tpu.memref_slice %arg7[%dma_wait3A_299] : memref<25600xf32, #tpu.memory_space<vmem>> -> memref<25600xf32, #tpu.memory_space<vmem>>
    %dma_wait3A_301 = arith.constant 0 : i32
    %dma_wait3A_302 = tpu.memref_slice %arg3[%add3A_8, %dma_wait3A_301] : memref<64x100000xf32, #tpu.memory_space<hbm>> -> memref<1x100000xf32, #tpu.memory_space<hbm>>
    %dma_wait3A_303 = tpu.memref_squeeze %dma_wait3A_302 : memref<1x100000xf32, #tpu.memory_space<hbm>> -> memref<100000xf32, #tpu.memory_space<hbm>>
    %dma_wait3A_304 = arith.constant 51200 : i32
    %dma_wait3A_305 = tpu.memref_slice %dma_wait3A_303[%dma_wait3A_304] : memref<100000xf32, #tpu.memory_space<hbm>> -> memref<25600xf32, #tpu.memory_space<hbm>>
    %dma_wait3A_306 = arith.constant 0 : i32
    %dma_wait3A_307 = tpu.memref_slice %arg7[%dma_wait3A_306] : memref<25600xf32, #tpu.memory_space<vmem>> -> memref<25600xf32, #tpu.memory_space<vmem>>
    %dma_wait3A_308 = arith.constant 0 : i32
    %dma_wait3A_309 = tpu.memref_slice %arg3[%add3A_8, %dma_wait3A_308] : memref<64x100000xf32, #tpu.memory_space<hbm>> -> memref<1x100000xf32, #tpu.memory_space<hbm>>
    %dma_wait3A_310 = tpu.memref_squeeze %dma_wait3A_309 : memref<1x100000xf32, #tpu.memory_space<hbm>> -> memref<100000xf32, #tpu.memory_space<hbm>>
    %dma_wait3A_311 = arith.constant 51200 : i32
    %dma_wait3A_312 = tpu.memref_slice %dma_wait3A_310[%dma_wait3A_311] : memref<100000xf32, #tpu.memory_space<hbm>> -> memref<25600xf32, #tpu.memory_space<hbm>>
    tpu.wait_dma2 semaphore(%arg11 : memref<!tpu.dma_semaphore, #tpu.memory_space<semaphore_mem>>) src(%dma_wait3A_312 : memref<25600xf32, #tpu.memory_space<hbm>>) dst(%dma_wait3A_307 : memref<25600xf32, #tpu.memory_space<vmem>>)
    %dma_start3A_313 = arith.constant 0 : i32
    %dma_start3A_314 = tpu.memref_slice %arg7[%dma_start3A_313] : memref<25600xf32, #tpu.memory_space<vmem>> -> memref<25600xf32, #tpu.memory_space<vmem>>
    %dma_start3A_315 = arith.constant 0 : i32
    %dma_start3A_316 = tpu.memref_slice %arg4[%add3A_8, %dma_start3A_315] : memref<64x100000xf32, #tpu.memory_space<hbm>> -> memref<1x100000xf32, #tpu.memory_space<hbm>>
    %dma_start3A_317 = tpu.memref_squeeze %dma_start3A_316 : memref<1x100000xf32, #tpu.memory_space<hbm>> -> memref<100000xf32, #tpu.memory_space<hbm>>
    %dma_start3A_318 = arith.constant 51200 : i32
    %dma_start3A_319 = tpu.memref_slice %dma_start3A_317[%dma_start3A_318] : memref<100000xf32, #tpu.memory_space<hbm>> -> memref<25600xf32, #tpu.memory_space<hbm>>
    %dma_start3A_320 = arith.constant 0 : i32
    %dma_start3A_321 = tpu.memref_slice %arg4[%add3A_8, %dma_start3A_320] : memref<64x100000xf32, #tpu.memory_space<hbm>> -> memref<1x100000xf32, #tpu.memory_space<hbm>>
    %dma_start3A_322 = tpu.memref_squeeze %dma_start3A_321 : memref<1x100000xf32, #tpu.memory_space<hbm>> -> memref<100000xf32, #tpu.memory_space<hbm>>
    %dma_start3A_323 = arith.constant 51200 : i32
    %dma_start3A_324 = tpu.memref_slice %dma_start3A_322[%dma_start3A_323] : memref<100000xf32, #tpu.memory_space<hbm>> -> memref<25600xf32, #tpu.memory_space<hbm>>
    %dma_start3A_325 = arith.constant 0 : i32
    %dma_start3A_326 = tpu.memref_slice %arg7[%dma_start3A_325] : memref<25600xf32, #tpu.memory_space<vmem>> -> memref<25600xf32, #tpu.memory_space<vmem>>
    tpu.enqueue_dma source(%dma_start3A_326 : memref<25600xf32, #tpu.memory_space<vmem>>) target(%dma_start3A_324 : memref<25600xf32, #tpu.memory_space<hbm>>) target_semaphore(%arg14 : memref<!tpu.dma_semaphore, #tpu.memory_space<semaphore_mem>>)
    %dma_wait3A_327 = arith.constant 0 : i32
    %dma_wait3A_328 = arith.constant 0 : i32
    %dma_wait3A_329 = arith.constant 0 : i32
    %dma_wait3A_330 = tpu.memref_slice %arg8[%arg1, %dma_wait3A_328, %dma_wait3A_329] : memref<16x2x23168xf32, #tpu.memory_space<vmem_shared>> -> memref<1x2x23168xf32, #tpu.memory_space<vmem_shared>>
    %dma_wait3A_331 = tpu.memref_squeeze %dma_wait3A_330 : memref<1x2x23168xf32, #tpu.memory_space<vmem_shared>> -> memref<2x23168xf32, #tpu.memory_space<vmem_shared>>
    %dma_wait3A_332 = arith.constant 0 : i32
    %dma_wait3A_333 = tpu.memref_slice %dma_wait3A_331[%dma_wait3A_327, %dma_wait3A_332] : memref<2x23168xf32, #tpu.memory_space<vmem_shared>> -> memref<1x23168xf32, #tpu.memory_space<vmem_shared>>
    %dma_wait3A_334 = tpu.memref_squeeze %dma_wait3A_333 : memref<1x23168xf32, #tpu.memory_space<vmem_shared>> -> memref<23168xf32, #tpu.memory_space<vmem_shared>>
    %dma_wait3A_335 = arith.constant 0 : i32
    %dma_wait3A_336 = tpu.memref_slice %arg3[%add3A_4, %dma_wait3A_335] : memref<64x100000xf32, #tpu.memory_space<hbm>> -> memref<1x100000xf32, #tpu.memory_space<hbm>>
    %dma_wait3A_337 = tpu.memref_squeeze %dma_wait3A_336 : memref<1x100000xf32, #tpu.memory_space<hbm>> -> memref<100000xf32, #tpu.memory_space<hbm>>
    %dma_wait3A_338 = arith.constant 76800 : i32
    %dma_wait3A_339 = tpu.memref_slice %dma_wait3A_337[%dma_wait3A_338] : memref<100000xf32, #tpu.memory_space<hbm>> -> memref<23168xf32, #tpu.memory_space<hbm>>
    tpu.wait_dma2 semaphore(%arg15 : memref<!tpu.dma_semaphore, #tpu.memory_space<semaphore_mem>>) src(%dma_wait3A_339 : memref<23168xf32, #tpu.memory_space<hbm>>) dst(%dma_wait3A_334 : memref<23168xf32, #tpu.memory_space<vmem_shared>>)
    %dma_start3A_340 = arith.constant 0 : i32
    %dma_start3A_341 = arith.constant 0 : i32
    %dma_start3A_342 = tpu.memref_slice %arg4[%add3A_4, %dma_start3A_341] : memref<64x100000xf32, #tpu.memory_space<hbm>> -> memref<1x100000xf32, #tpu.memory_space<hbm>>
    %dma_start3A_343 = tpu.memref_squeeze %dma_start3A_342 : memref<1x100000xf32, #tpu.memory_space<hbm>> -> memref<100000xf32, #tpu.memory_space<hbm>>
    %dma_start3A_344 = arith.constant 76800 : i32
    %dma_start3A_345 = tpu.memref_slice %dma_start3A_343[%dma_start3A_344] : memref<100000xf32, #tpu.memory_space<hbm>> -> memref<23168xf32, #tpu.memory_space<hbm>>
    %dma_start3A_346 = arith.constant 0 : i32
    %dma_start3A_347 = arith.constant 0 : i32
    %dma_start3A_348 = tpu.memref_slice %arg8[%arg1, %dma_start3A_346, %dma_start3A_347] : memref<16x2x23168xf32, #tpu.memory_space<vmem_shared>> -> memref<1x2x23168xf32, #tpu.memory_space<vmem_shared>>
    %dma_start3A_349 = tpu.memref_squeeze %dma_start3A_348 : memref<1x2x23168xf32, #tpu.memory_space<vmem_shared>> -> memref<2x23168xf32, #tpu.memory_space<vmem_shared>>
    %dma_start3A_350 = arith.constant 0 : i32
    %dma_start3A_351 = tpu.memref_slice %dma_start3A_349[%dma_start3A_340, %dma_start3A_350] : memref<2x23168xf32, #tpu.memory_space<vmem_shared>> -> memref<1x23168xf32, #tpu.memory_space<vmem_shared>>
    %dma_start3A_352 = tpu.memref_squeeze %dma_start3A_351 : memref<1x23168xf32, #tpu.memory_space<vmem_shared>> -> memref<23168xf32, #tpu.memory_space<vmem_shared>>
    tpu.enqueue_dma source(%dma_start3A_352 : memref<23168xf32, #tpu.memory_space<vmem_shared>>) target(%dma_start3A_345 : memref<23168xf32, #tpu.memory_space<hbm>>) target_semaphore(%arg17 : memref<!tpu.dma_semaphore, #tpu.memory_space<semaphore_mem>>)
    %dma_wait3A_353 = arith.constant 1 : i32
    %dma_wait3A_354 = arith.constant 0 : i32
    %dma_wait3A_355 = arith.constant 0 : i32
    %dma_wait3A_356 = tpu.memref_slice %arg8[%arg1, %dma_wait3A_354, %dma_wait3A_355] : memref<16x2x23168xf32, #tpu.memory_space<vmem_shared>> -> memref<1x2x23168xf32, #tpu.memory_space<vmem_shared>>
    %dma_wait3A_357 = tpu.memref_squeeze %dma_wait3A_356 : memref<1x2x23168xf32, #tpu.memory_space<vmem_shared>> -> memref<2x23168xf32, #tpu.memory_space<vmem_shared>>
    %dma_wait3A_358 = arith.constant 0 : i32
    %dma_wait3A_359 = tpu.memref_slice %dma_wait3A_357[%dma_wait3A_353, %dma_wait3A_358] : memref<2x23168xf32, #tpu.memory_space<vmem_shared>> -> memref<1x23168xf32, #tpu.memory_space<vmem_shared>>
    %dma_wait3A_360 = tpu.memref_squeeze %dma_wait3A_359 : memref<1x23168xf32, #tpu.memory_space<vmem_shared>> -> memref<23168xf32, #tpu.memory_space<vmem_shared>>
    %dma_wait3A_361 = arith.constant 0 : i32
    %dma_wait3A_362 = tpu.memref_slice %arg3[%add3A_8, %dma_wait3A_361] : memref<64x100000xf32, #tpu.memory_space<hbm>> -> memref<1x100000xf32, #tpu.memory_space<hbm>>
    %dma_wait3A_363 = tpu.memref_squeeze %dma_wait3A_362 : memref<1x100000xf32, #tpu.memory_space<hbm>> -> memref<100000xf32, #tpu.memory_space<hbm>>
    %dma_wait3A_364 = arith.constant 76800 : i32
    %dma_wait3A_365 = tpu.memref_slice %dma_wait3A_363[%dma_wait3A_364] : memref<100000xf32, #tpu.memory_space<hbm>> -> memref<23168xf32, #tpu.memory_space<hbm>>
    tpu.wait_dma2 semaphore(%arg16 : memref<!tpu.dma_semaphore, #tpu.memory_space<semaphore_mem>>) src(%dma_wait3A_365 : memref<23168xf32, #tpu.memory_space<hbm>>) dst(%dma_wait3A_360 : memref<23168xf32, #tpu.memory_space<vmem_shared>>)
    %dma_start3A_366 = arith.constant 1 : i32
    %dma_start3A_367 = arith.constant 0 : i32
    %dma_start3A_368 = tpu.memref_slice %arg4[%add3A_8, %dma_start3A_367] : memref<64x100000xf32, #tpu.memory_space<hbm>> -> memref<1x100000xf32, #tpu.memory_space<hbm>>
    %dma_start3A_369 = tpu.memref_squeeze %dma_start3A_368 : memref<1x100000xf32, #tpu.memory_space<hbm>> -> memref<100000xf32, #tpu.memory_space<hbm>>
    %dma_start3A_370 = arith.constant 76800 : i32
    %dma_start3A_371 = tpu.memref_slice %dma_start3A_369[%dma_start3A_370] : memref<100000xf32, #tpu.memory_space<hbm>> -> memref<23168xf32, #tpu.memory_space<hbm>>
    %dma_start3A_372 = arith.constant 0 : i32
    %dma_start3A_373 = arith.constant 0 : i32
    %dma_start3A_374 = tpu.memref_slice %arg8[%arg1, %dma_start3A_372, %dma_start3A_373] : memref<16x2x23168xf32, #tpu.memory_space<vmem_shared>> -> memref<1x2x23168xf32, #tpu.memory_space<vmem_shared>>
    %dma_start3A_375 = tpu.memref_squeeze %dma_start3A_374 : memref<1x2x23168xf32, #tpu.memory_space<vmem_shared>> -> memref<2x23168xf32, #tpu.memory_space<vmem_shared>>
    %dma_start3A_376 = arith.constant 0 : i32
    %dma_start3A_377 = tpu.memref_slice %dma_start3A_375[%dma_start3A_366, %dma_start3A_376] : memref<2x23168xf32, #tpu.memory_space<vmem_shared>> -> memref<1x23168xf32, #tpu.memory_space<vmem_shared>>
    %dma_start3A_378 = tpu.memref_squeeze %dma_start3A_377 : memref<1x23168xf32, #tpu.memory_space<vmem_shared>> -> memref<23168xf32, #tpu.memory_space<vmem_shared>>
    tpu.enqueue_dma source(%dma_start3A_378 : memref<23168xf32, #tpu.memory_space<vmem_shared>>) target(%dma_start3A_371 : memref<23168xf32, #tpu.memory_space<hbm>>) target_semaphore(%arg18 : memref<!tpu.dma_semaphore, #tpu.memory_space<semaphore_mem>>)
    %dma_wait3A_379 = arith.constant 0 : i32
    %dma_wait3A_380 = tpu.memref_slice %arg5[%dma_wait3A_379] : memref<25600xf32, #tpu.memory_space<vmem>> -> memref<25600xf32, #tpu.memory_space<vmem>>
    %dma_wait3A_381 = arith.constant 0 : i32
    %dma_wait3A_382 = tpu.memref_slice %arg4[%add3A_8, %dma_wait3A_381] : memref<64x100000xf32, #tpu.memory_space<hbm>> -> memref<1x100000xf32, #tpu.memory_space<hbm>>
    %dma_wait3A_383 = tpu.memref_squeeze %dma_wait3A_382 : memref<1x100000xf32, #tpu.memory_space<hbm>> -> memref<100000xf32, #tpu.memory_space<hbm>>
    %dma_wait3A_384 = arith.constant 0 : i32
    %dma_wait3A_385 = tpu.memref_slice %dma_wait3A_383[%dma_wait3A_384] : memref<100000xf32, #tpu.memory_space<hbm>> -> memref<25600xf32, #tpu.memory_space<hbm>>
    %dma_wait3A_386 = arith.constant 0 : i32
    %dma_wait3A_387 = tpu.memref_slice %arg4[%add3A_8, %dma_wait3A_386] : memref<64x100000xf32, #tpu.memory_space<hbm>> -> memref<1x100000xf32, #tpu.memory_space<hbm>>
    %dma_wait3A_388 = tpu.memref_squeeze %dma_wait3A_387 : memref<1x100000xf32, #tpu.memory_space<hbm>> -> memref<100000xf32, #tpu.memory_space<hbm>>
    %dma_wait3A_389 = arith.constant 0 : i32
    %dma_wait3A_390 = tpu.memref_slice %dma_wait3A_388[%dma_wait3A_389] : memref<100000xf32, #tpu.memory_space<hbm>> -> memref<25600xf32, #tpu.memory_space<hbm>>
    %dma_wait3A_391 = arith.constant 0 : i32
    %dma_wait3A_392 = tpu.memref_slice %arg5[%dma_wait3A_391] : memref<25600xf32, #tpu.memory_space<vmem>> -> memref<25600xf32, #tpu.memory_space<vmem>>
    tpu.wait_dma2 semaphore(%arg12 : memref<!tpu.dma_semaphore, #tpu.memory_space<semaphore_mem>>) src(%dma_wait3A_392 : memref<25600xf32, #tpu.memory_space<vmem>>) dst(%dma_wait3A_390 : memref<25600xf32, #tpu.memory_space<hbm>>)
    %dma_wait3A_393 = arith.constant 0 : i32
    %dma_wait3A_394 = tpu.memref_slice %arg6[%dma_wait3A_393] : memref<25600xf32, #tpu.memory_space<vmem>> -> memref<25600xf32, #tpu.memory_space<vmem>>
    %dma_wait3A_395 = arith.constant 0 : i32
    %dma_wait3A_396 = tpu.memref_slice %arg4[%add3A_8, %dma_wait3A_395] : memref<64x100000xf32, #tpu.memory_space<hbm>> -> memref<1x100000xf32, #tpu.memory_space<hbm>>
    %dma_wait3A_397 = tpu.memref_squeeze %dma_wait3A_396 : memref<1x100000xf32, #tpu.memory_space<hbm>> -> memref<100000xf32, #tpu.memory_space<hbm>>
    %dma_wait3A_398 = arith.constant 25600 : i32
    %dma_wait3A_399 = tpu.memref_slice %dma_wait3A_397[%dma_wait3A_398] : memref<100000xf32, #tpu.memory_space<hbm>> -> memref<25600xf32, #tpu.memory_space<hbm>>
    %dma_wait3A_400 = arith.constant 0 : i32
    %dma_wait3A_401 = tpu.memref_slice %arg4[%add3A_8, %dma_wait3A_400] : memref<64x100000xf32, #tpu.memory_space<hbm>> -> memref<1x100000xf32, #tpu.memory_space<hbm>>
    %dma_wait3A_402 = tpu.memref_squeeze %dma_wait3A_401 : memref<1x100000xf32, #tpu.memory_space<hbm>> -> memref<100000xf32, #tpu.memory_space<hbm>>
    %dma_wait3A_403 = arith.constant 25600 : i32
    %dma_wait3A_404 = tpu.memref_slice %dma_wait3A_402[%dma_wait3A_403] : memref<100000xf32, #tpu.memory_space<hbm>> -> memref<25600xf32, #tpu.memory_space<hbm>>
    %dma_wait3A_405 = arith.constant 0 : i32
    %dma_wait3A_406 = tpu.memref_slice %arg6[%dma_wait3A_405] : memref<25600xf32, #tpu.memory_space<vmem>> -> memref<25600xf32, #tpu.memory_space<vmem>>
    tpu.wait_dma2 semaphore(%arg13 : memref<!tpu.dma_semaphore, #tpu.memory_space<semaphore_mem>>) src(%dma_wait3A_406 : memref<25600xf32, #tpu.memory_space<vmem>>) dst(%dma_wait3A_404 : memref<25600xf32, #tpu.memory_space<hbm>>)
    %dma_wait3A_407 = arith.constant 0 : i32
    %dma_wait3A_408 = tpu.memref_slice %arg7[%dma_wait3A_407] : memref<25600xf32, #tpu.memory_space<vmem>> -> memref<25600xf32, #tpu.memory_space<vmem>>
    %dma_wait3A_409 = arith.constant 0 : i32
    %dma_wait3A_410 = tpu.memref_slice %arg4[%add3A_8, %dma_wait3A_409] : memref<64x100000xf32, #tpu.memory_space<hbm>> -> memref<1x100000xf32, #tpu.memory_space<hbm>>
    %dma_wait3A_411 = tpu.memref_squeeze %dma_wait3A_410 : memref<1x100000xf32, #tpu.memory_space<hbm>> -> memref<100000xf32, #tpu.memory_space<hbm>>
    %dma_wait3A_412 = arith.constant 51200 : i32
    %dma_wait3A_413 = tpu.memref_slice %dma_wait3A_411[%dma_wait3A_412] : memref<100000xf32, #tpu.memory_space<hbm>> -> memref<25600xf32, #tpu.memory_space<hbm>>
    %dma_wait3A_414 = arith.constant 0 : i32
    %dma_wait3A_415 = tpu.memref_slice %arg4[%add3A_8, %dma_wait3A_414] : memref<64x100000xf32, #tpu.memory_space<hbm>> -> memref<1x100000xf32, #tpu.memory_space<hbm>>
    %dma_wait3A_416 = tpu.memref_squeeze %dma_wait3A_415 : memref<1x100000xf32, #tpu.memory_space<hbm>> -> memref<100000xf32, #tpu.memory_space<hbm>>
    %dma_wait3A_417 = arith.constant 51200 : i32
    %dma_wait3A_418 = tpu.memref_slice %dma_wait3A_416[%dma_wait3A_417] : memref<100000xf32, #tpu.memory_space<hbm>> -> memref<25600xf32, #tpu.memory_space<hbm>>
    %dma_wait3A_419 = arith.constant 0 : i32
    %dma_wait3A_420 = tpu.memref_slice %arg7[%dma_wait3A_419] : memref<25600xf32, #tpu.memory_space<vmem>> -> memref<25600xf32, #tpu.memory_space<vmem>>
    tpu.wait_dma2 semaphore(%arg14 : memref<!tpu.dma_semaphore, #tpu.memory_space<semaphore_mem>>) src(%dma_wait3A_420 : memref<25600xf32, #tpu.memory_space<vmem>>) dst(%dma_wait3A_418 : memref<25600xf32, #tpu.memory_space<hbm>>)
    %dma_wait3A_421 = arith.constant 0 : i32
    %dma_wait3A_422 = arith.constant 0 : i32
    %dma_wait3A_423 = tpu.memref_slice %arg4[%add3A_4, %dma_wait3A_422] : memref<64x100000xf32, #tpu.memory_space<hbm>> -> memref<1x100000xf32, #tpu.memory_space<hbm>>
    %dma_wait3A_424 = tpu.memref_squeeze %dma_wait3A_423 : memref<1x100000xf32, #tpu.memory_space<hbm>> -> memref<100000xf32, #tpu.memory_space<hbm>>
    %dma_wait3A_425 = arith.constant 76800 : i32
    %dma_wait3A_426 = tpu.memref_slice %dma_wait3A_424[%dma_wait3A_425] : memref<100000xf32, #tpu.memory_space<hbm>> -> memref<23168xf32, #tpu.memory_space<hbm>>
    %dma_wait3A_427 = arith.constant 0 : i32
    %dma_wait3A_428 = arith.constant 0 : i32
    %dma_wait3A_429 = tpu.memref_slice %arg8[%arg1, %dma_wait3A_427, %dma_wait3A_428] : memref<16x2x23168xf32, #tpu.memory_space<vmem_shared>> -> memref<1x2x23168xf32, #tpu.memory_space<vmem_shared>>
    %dma_wait3A_430 = tpu.memref_squeeze %dma_wait3A_429 : memref<1x2x23168xf32, #tpu.memory_space<vmem_shared>> -> memref<2x23168xf32, #tpu.memory_space<vmem_shared>>
    %dma_wait3A_431 = arith.constant 0 : i32
    %dma_wait3A_432 = tpu.memref_slice %dma_wait3A_430[%dma_wait3A_421, %dma_wait3A_431] : memref<2x23168xf32, #tpu.memory_space<vmem_shared>> -> memref<1x23168xf32, #tpu.memory_space<vmem_shared>>
    %dma_wait3A_433 = tpu.memref_squeeze %dma_wait3A_432 : memref<1x23168xf32, #tpu.memory_space<vmem_shared>> -> memref<23168xf32, #tpu.memory_space<vmem_shared>>
    tpu.wait_dma2 semaphore(%arg17 : memref<!tpu.dma_semaphore, #tpu.memory_space<semaphore_mem>>) src(%dma_wait3A_433 : memref<23168xf32, #tpu.memory_space<vmem_shared>>) dst(%dma_wait3A_426 : memref<23168xf32, #tpu.memory_space<hbm>>)
    %dma_wait3A_434 = arith.constant 1 : i32
    %dma_wait3A_435 = arith.constant 0 : i32
    %dma_wait3A_436 = tpu.memref_slice %arg4[%add3A_8, %dma_wait3A_435] : memref<64x100000xf32, #tpu.memory_space<hbm>> -> memref<1x100000xf32, #tpu.memory_space<hbm>>
    %dma_wait3A_437 = tpu.memref_squeeze %dma_wait3A_436 : memref<1x100000xf32, #tpu.memory_space<hbm>> -> memref<100000xf32, #tpu.memory_space<hbm>>
    %dma_wait3A_438 = arith.constant 76800 : i32
    %dma_wait3A_439 = tpu.memref_slice %dma_wait3A_437[%dma_wait3A_438] : memref<100000xf32, #tpu.memory_space<hbm>> -> memref<23168xf32, #tpu.memory_space<hbm>>
    %dma_wait3A_440 = arith.constant 0 : i32
    %dma_wait3A_441 = arith.constant 0 : i32
    %dma_wait3A_442 = tpu.memref_slice %arg8[%arg1, %dma_wait3A_440, %dma_wait3A_441] : memref<16x2x23168xf32, #tpu.memory_space<vmem_shared>> -> memref<1x2x23168xf32, #tpu.memory_space<vmem_shared>>
    %dma_wait3A_443 = tpu.memref_squeeze %dma_wait3A_442 : memref<1x2x23168xf32, #tpu.memory_space<vmem_shared>> -> memref<2x23168xf32, #tpu.memory_space<vmem_shared>>
    %dma_wait3A_444 = arith.constant 0 : i32
    %dma_wait3A_445 = tpu.memref_slice %dma_wait3A_443[%dma_wait3A_434, %dma_wait3A_444] : memref<2x23168xf32, #tpu.memory_space<vmem_shared>> -> memref<1x23168xf32, #tpu.memory_space<vmem_shared>>
    %dma_wait3A_446 = tpu.memref_squeeze %dma_wait3A_445 : memref<1x23168xf32, #tpu.memory_space<vmem_shared>> -> memref<23168xf32, #tpu.memory_space<vmem_shared>>
    tpu.wait_dma2 semaphore(%arg18 : memref<!tpu.dma_semaphore, #tpu.memory_space<semaphore_mem>>) src(%dma_wait3A_446 : memref<23168xf32, #tpu.memory_space<vmem_shared>>) dst(%dma_wait3A_439 : memref<23168xf32, #tpu.memory_space<hbm>>)
    return
  }
}

</mosaic_0001>

<sc_bundles>
// kernel: _run.3.cloned.1.call-start
scs
__scs_entry_jumppad:
0x0: {  	(pc) =	sbr.rel $0x88, $3  }
0x1: {  	(tag) =	ssettag $0x0;
	lr =	simm.s32 $0x1  }
0x2: {  	[smem:$0x3F9F] =	sst lr;
	_ =	strace $0xD0000000  }
0x3: {  	_ = 	snop  }
0x4: {  	_ = 	snop  }
0x5: {  	_ = 	snop  }
0x6: {  	_ = 	snop  }
0x7: {  	_ = 	snop  }
__scs_overlays_trampoline_lowered:
0x8: {  	[smem:$0x3FAE] =	sst s0  }
0x9: {  	[smem:$0x3FAF] =	sst s1  }
0xa: {  	[smem:$0x3FB0] =	sst s2  }
0xb: {  	[smem:$0x3FB1] =	sst s3  }
0xc: {  	[smem:$0x3FB2] =	sst s4  }
0xd: {  	[smem:$0x3FB3] =	sst s5  }
0xe: {  	[smem:$0x3FB4] =	sst s6  }
0xf: {  	[smem:$0x3FB5] =	sst s7  }
0x10: {  	[smem:$0x3FB6] =	sst s8  }
0x11: {  	[smem:$0x3FB7] =	sst s9;
	s0 =	simm.s32 @!p0 $0x0  }
0x12: {  	s1 =	sld [smem:$0x3F9D];
	s0 =	simm.s32 @p0 $0x1  }
0x13: {  	[smem:$0x3FB8] =	sst s0;
	s0 =	simm.s32 @!p1 $0x0  }
0x14: {  	s2 =	sld [smem:$0x3F9C];
	s0 =	simm.s32 @p1 $0x1  }
0x15: {  	[smem:$0x3FB9] =	sst s0;
	s0 =	simm.s32 @!p2 $0x0  }
0x16: {  	s3 =	sld [smem:$0x3FDB];
	s0 =	simm.s32 @p2 $0x1  }
0x17: {  	s4 =	simm.s32 $0x1BF5;
	[smem:$0x3FBB] =	sst s0  }
0x18: {  	s0 =	sld [smem:$0x3F9E];
	_ =	swait.ge [sflag:s4], $0x0  }
0x19: {  	s7 =	sld [smem:$0x3F9F]  }
0x1a: {  	s8 =	sadd.s32 $0xFFFFE003, lr  }
0x1b: {  	s9 =	sadd.s32 $0xFFFFFEF7, lr;
	s5 =	simm.s32 $0xFFFFFFFF;
	p2 =	slt.u32 s8, $0xFFFFF086  }
0x1c: {  	p1 =	slt.u32 s9, $0xF7A;
	s5 =	simm.s32 @!p2 $0x0  }
0x1d: {  	s5 =	simm.s32 @p1 $0x1;
	p0 =	seq.s32 s7, s2  }
0x1e: {  	s7 =	smul.u32 @!p0 $0xF7A, s2;
	p2 =	seq.s32 @!p0 s5, $0x0  }
0x1f: {  	s9 =	smul.u32 $0xF7A, s1;
	s8 =	simm.s32 @!p0 $0x1BF5;
	p2 =	por !p2, p0  }
0x20: {  	[sflag:s8] =	ssyncset.s32 @!p0 $0xFFFFF086;
	s6 =	sadd.s32 @!p0 s3, s7;
	s7 =	simm.s32 @!p0 $0x108  }
0x21: {  	s3 =	sadd.s32 s3, s9;
	s6 =	sadd.s32 @!p0 $0x88, s6;
	s7 =	simm.s32 @p2 $0x1082  }
0x22: {  	[simem:s7], [sflag:s8] =	dma.local @!p0 [hbm:s6], $0xF7A  }
0x23: {  	s9 =	sor.u32 $0xD0000000, s2;
	s6 =	simm.s32 $0x108;
	_ =	swait.ge @!p0 [sflag:s8], $0x0  }
0x24: {  	s3 =	sadd.s32 $0x88, s3;
	s6 =	simm.s32 @!p1 $0x1082;
	[sflag:s4] =	ssyncset.s32 $0xFFFFF086  }
0x25: {  	[simem:s6], [sflag:s4] =	dma.local [hbm:s3], $0xF7A  }
0x26: {  	[smem:$0x3F9F] =	sst s1;
	(tag) =	ssettag s2;
	_ =	strace s9  }
0x27: {  	s1 =	sld [smem:$0x3FAF]  }
0x28: {  	s2 =	sld [smem:$0x3FB0]  }
0x29: {  	s4 =	sld [smem:$0x3FB2]  }
0x2a: {  	p0 =	seq.s32 s5, $0x0;
	s5 =	sld [smem:$0x3FB3]  }
0x2b: {  	s6 =	sld [smem:$0x3FB4]  }
0x2c: {  	s7 =	sld [smem:$0x3FB5]  }
0x2d: {  	s3 =	simm.s32 $0x108;
	s8 =	sld [smem:$0x3FB6]  }
0x2e: {  	s3 =	simm.s32 @!p0 $0x1082;
	s9 =	sld [smem:$0x3FB7]  }
0x2f: {  	lr =	sadd.s32 s0, s3;
	s0 =	sld [smem:$0x3FAE]  }
0x30: {  	s3 =	sld [smem:$0x3FB1]  }
0x31: {  	[smem:$0x3FBA] =	sst s10  }
0x32: {  	s10 =	sld [smem:$0x3FB8];
	_ =	sdelay $0x3  }
0x33: {  	p0 =	seq.s32 s10, $0x1;
	s10 =	sld [smem:$0x3FBA];
	_ =	sdelay $0x3  }
0x34: {  	[smem:$0x3FBA] =	sst s10  }
0x35: {  	s10 =	sld [smem:$0x3FB9];
	_ =	sdelay $0x3  }
0x36: {  	p1 =	seq.s32 s10, $0x1;
	s10 =	sld [smem:$0x3FBA];
	_ =	sdelay $0x3  }
0x37: {  	[smem:$0x3FBA] =	sst s10  }
0x38: {  	s10 =	sld [smem:$0x3FBB]  }
0x39: {  	_ = 	snop;
	(pc) =	sbr.ind lr, $3  }
0x3a: {  	_ = 	snop  }
0x3b: {  	_ = 	snop  }
0x3c: {  	p2 =	seq.s32 s10, $0x1;
	s10 =	sld [smem:$0x3FBA]  }
0x3d: {  	_ =	shalt  }
0x3e: {  	_ =	shalt  }
0x3f: {  	_ =	shalt  }
0x40: {  	_ =	shalt  }
0x41: {  	_ =	shalt  }
0x42: {  	_ =	shalt  }
0x43: {  	_ =	shalt  }
0x44: {  	_ =	shalt  }
0x45: {  	_ =	shalt  }
0x46: {  	_ =	shalt  }
0x47: {  	_ =	shalt  }
0x48: {  	_ =	shalt  }
0x49: {  	_ =	shalt  }
0x4a: {  	_ =	shalt  }
0x4b: {  	_ =	shalt  }
0x4c: {  	_ =	shalt  }
0x4d: {  	_ =	shalt  }
0x4e: {  	_ =	shalt  }
0x4f: {  	_ =	shalt  }
0x50: {  	_ =	shalt  }
0x51: {  	_ =	shalt  }
0x52: {  	_ =	shalt  }
0x53: {  	_ =	shalt  }
0x54: {  	_ =	shalt  }
0x55: {  	_ =	shalt  }
0x56: {  	_ =	shalt  }
0x57: {  	_ =	shalt  }
0x58: {  	_ =	shalt  }
0x59: {  	_ =	shalt  }
0x5a: {  	_ =	shalt  }
0x5b: {  	_ =	shalt  }
0x5c: {  	_ =	shalt  }
0x5d: {  	_ =	shalt  }
0x5e: {  	_ =	shalt  }
0x5f: {  	_ =	shalt  }
0x60: {  	_ =	shalt  }
0x61: {  	_ =	shalt  }
0x62: {  	_ =	shalt  }
0x63: {  	_ =	shalt  }
0x64: {  	_ =	shalt  }
0x65: {  	_ =	shalt  }
0x66: {  	_ =	shalt  }
0x67: {  	_ =	shalt  }
0x68: {  	_ =	shalt  }
0x69: {  	_ =	shalt  }
0x6a: {  	_ =	shalt  }
0x6b: {  	_ =	shalt  }
0x6c: {  	_ =	shalt  }
0x6d: {  	_ =	shalt  }
0x6e: {  	_ =	shalt  }
0x6f: {  	_ =	shalt  }
0x70: {  	_ =	shalt  }
0x71: {  	_ =	shalt  }
0x72: {  	_ =	shalt  }
0x73: {  	_ =	shalt  }
0x74: {  	_ =	shalt  }
0x75: {  	_ =	shalt  }
0x76: {  	_ =	shalt  }
0x77: {  	_ =	shalt  }
0x78: {  	_ =	shalt  }
0x79: {  	_ =	shalt  }
0x7a: {  	_ =	shalt  }
0x7b: {  	_ =	shalt  }
0x7c: {  	_ =	shalt  }
0x7d: {  	_ =	shalt  }
0x7e: {  	_ =	shalt  }
0x7f: {  	_ =	shalt  }
0x80: {  	_ =	shalt  }
0x81: {  	_ =	shalt  }
0x82: {  	_ =	shalt  }
0x83: {  	_ =	shalt  }
0x84: {  	_ =	shalt  }
0x85: {  	_ =	shalt  }
0x86: {  	_ =	shalt  }
0x87: {  	_ =	shalt  }
.Lfunc_end0:
.L_simem_size_0:
called_computation_lowered:
.L_overlay_start_0:
0x88: {  	s2 =	sld [smem:$0x3FD9]  }
0x89: {  	s3 =	sld [smem:$0x3FFE];
	_ =	sdelay $0x1  }
0x8a: {  	s1 =	srdreg.scid  }
0x8b: {  	s0 =	sand.u32 $0x1, s1  }
0x8c: {  	s18 =	sshll.u32 s0, $0xA;
	s2 =	sadd.s32 s3, s2  }
0x8d: {  	s2 =	sadd.s32 s2, s18  }
0x8e: {  	[smem:$0x3FC6] =	sst s2  }
0x8f: {  	_ = 	snop  }
0x90: {  	s2 =	sld [smem:$0x3FC8]  }
0x91: {  	s19 =	sld [smem:$0x3FD0];
	(tm) =	ssettm $0x1  }
0x92: {  	s4 =	sld [smem:$0x3FFB];
	_ =	sdelay $0x3  }
0x93: {  	_ =	strace s4  }
0x94: {  	s4 =	sld [smem:$0x3FFC];
	_ =	sdelay $0x3  }
0x95: {  	_ =	strace s4  }
0x96: {  	s4 =	sld [smem:$0x3FFD];
	_ =	sdelay $0x3  }
0x97: {  	_ =	strace s4  }
0x98: {  	_ =	strace $0x8FFFFFFF  }
0x99: {  	s20 =	sld [smem:$0x3FDB];
	_ =	sdelay $0x1  }
0x9a: {  	s5 =	simm.s32 $_scs_section_size  }
0x9b: {  	s6 =	simm.s32 $_size__tile_overlayer_lowered;
	s7 =	simm.s32 $_tile_overlayer_lowered  }
0x9c: {  	s23 =	simm.s32 $0x1BFF;
	s22 =	sshll.u32 s7, $0x1;
	s4 =	sadd.s32 s5, s20  }
0x9d: {  	s8 =	simm.s32 $0x0;
	s21 =	sshll.u32 s6, $0x1;
	s6 =	sadd.s32 s22, s4  }
0x9e: {  	[timem:s8], [sflag:s23] =	dma.local [hbm:s6], s21  }
0x9f: {  	_ =	swait.ge [sflag:s23], s21  }
0xa0: {  	s5 =	ssub.s32 $0x0, s21;
	[sflag:s23] =	ssyncset.done $0x0  }
0xa1: {  	[sflag:s23] =	ssyncadd.s32 s5;
	_ =	sdelay $0x1  }
0xa2: {  	s24 =	simm.s32 $0x1B8B  }
0xa3: {  	_ =	swait.ge [sflag:s24], $0x1  }
0xa4: {  	[sflag:s24] =	ssyncset.done $0x0  }
0xa5: {  	s25 =	simm.s32 $0x1B8E;
	[sflag:s24] =	ssyncadd.s32 $0xFFFFFFFF  }
0xa6: {  	s26 =	simm.s32 $execute0_lowered;
	[smem:$0x3FD2] =	sst s25  }
0xa7: {  	s5 =	sshll.u32 s26, $0x1;
	_ =	strace $0x80000046;
	[dreg:$0x1] =	wrdreg $0xFFFFFFFF  }
0xa8: {  	s28 =	simm.s32 $_size_execute0_lowered;
	s4 =	sadd.s32 s4, s5;
	[dreg:$0x0] =	wrdreg $0x0  }
0xa9: {  	s5 =	sshll.u32 s28, $0x1;
	[dreg:$0x2] =	wrdreg s4  }
0xaa: {  	[dreg:$0x3] =	wrdreg s5  }
0xab: {  	[dreg:$0x4] =	wrdreg $0xC0  }
0xac: {  	_ =	task [dreg:s8], $0x5FFFF  }
0xad: {  	[dreg:$0x1] =	wrdreg $0xFFFFFFFF  }
0xae: {  	[dreg:$0x0] =	wrdreg $0x60  }
0xaf: {  	[dreg:$0x2] =	wrdreg s2  }
0xb0: {  	[dreg:$0x3] =	wrdreg s19  }
0xb1: {  	[dreg:$0x4] =	wrdreg $0x12C000  }
0xb2: {  	[dreg:$0x5] =	wrdreg $0x9  }
0xb3: {  	_ =	task.clear_ibuf [dreg:s8], $0x6FFFF;
	_ =	strace $0x90000046  }
0xb4: {  	s29 =	simm.s32 $0x9;
	_ =	strace $0x80000048  }
0xb5: {  	_ =	swait.ge [sflag:s29], $0x1  }
0xb6: {  	[sflag:s29] =	ssyncadd.s32 $0xFFFFFFFF  }
0xb7: {  	_ =	strace $0x90000048  }
0xb8: {  	_ =	sfence  }
0xb9: {  	s30 =	sld [smem:$0x0];
	_ =	sdelay $0x2  }
0xba: {  	s31 =	sshll.u32 s1, $0xD;
	s1 =	sshrl.u32 s1, $0x2  }
0xbb: {  	s3 =	sand.u32 $0x4000, s31;
	s1 =	sadd.s32 s1, s30  }
0xbc: {  	s0 =	sor.u32 s3, s0;
	s1 =	sshll.u32 s1, $0x11  }
0xbd: {  	s0 =	sor.u32 s1, s0  }
0xbe: {  	s0 =	sadd.s32 $0x8F2B, s0  }
0xbf: {  	[sflag:s0] =	ssyncadd.remote.s32 $0x1  }
0xc0: {  	_ =	sfence.sel $0xFFFF  }
0xc1: {  	[dreg:$0x0] =	wrdreg $0xFFFFFFFF;
	(pc) =	sbr.abs _section_cstart, $3  }
0xc2: {  	[dreg:$0x1] =	wrdreg $0xFFFFFFFF  }
0xc3: {  	_ =	task.clear_ibuf [dreg:s8], $0x2FFFF;
	_ =	strace $0x9FFFFFFF  }
0xc4: {  	(tm) =	ssettm $0x7FFFFFFF  }
0xc5: {  	_ =	shalt  }
tec
execute0_lowered:
.L_overlay_start_1:
0x0: {  	(tag) =	ssettag $0x1  }
0x1: {  	s4 =	rddreg [dreg:$0x0]  }
0x2: {  	s0 =	srdreg.scid;
	s8 =	stileid.u32  }
0x3: {  	s0 =	sand.u32 $0x1, s0;
	s1 =	sshll.u32 s8, $0x9;
	s2 =	sshrl.u32 s8, $0x1  }
0x4: {  	s5 =	sshll.u32 s0, $0x8;
	s2 =	smul.u32 $0xC3800, s2;
	s1 =	sand.u32 $0x200, s1  }
0x5: {  	s3 =	rddreg [dreg:$0x1];
	s1 =	sor.u32 s5, s1  }
0x6: {  	s17 =	rddreg [dreg:$0x2];
	s1 =	sor.u32 s2, s1  }
0x7: {  	s2 =	simm.s32 $0x0;
	s6 =	sshrl.u32 s1, $0x3;
	s1 =	sshll.u32 s8, $0x6  }
0x8: {  	[smem:$0x7FF] =	sst s2;
	s14 =	sadd.s32 s4, s6;
	s18 =	sor.u32 $0x1C07, s1  }
0x9: {  	_ =	strace $0x80000047;
	s23 =	sor.u32 $0x1C08, s1;
	[dreg:$0x5] =	wrdreg s18  }
0xa: {  	s7 =	sadd.s32 $0x12C00, s14;
	[dreg:$0x9] =	wrdreg s23  }
0xb: {  	s9 =	simm.s32 $0x80;
	s19 =	sadd.s32 $0x6400, s14;
	[dreg:$0x4] =	wrdreg s7  }
0xc: {  	s8 =	smul.u32 $0x2D400, s8;
	s21 =	sadd.s32 $0xC800, s14;
	[dreg:$0x6] =	wrdreg s19  }
0xd: {  	s20 =	sor.u32 $0x10, s6;
	s5 =	sadd.s32 s3, s6;
	[dreg:$0x7] =	wrdreg s21  }
0xe: {  	s4 =	sadd.s32 s4, s20;
	s13 =	sadd.s32 $0x6400, s5;
	s12 =	rddreg [dreg:$0x5]  }
0xf: {  	s8 =	sshrl.u32 s8, $0x2;
	s22 =	sadd.s32 $0x12C00, s4;
	[dreg:$0xa] =	wrdreg s13  }
0x10: {  	s10 =	sadd.s32 s8, s17;
	s7 =	simm.s32 $0x1;
	[dreg:$0x8] =	wrdreg s22  }
0x11: {  	s8 =	simm.s32 $0x20;
	s11 =	rddreg [dreg:$0x4];
	s6 =	sshrl.u32 s10, $0x3  }
0x12: {  	[spmem:s6@s8], [sflag:s12] =	dma.strided [hbm:s11@s9], $0xB50, s7, $0x10   }
0x13: {  	s10 =	sadd.s32 $0x80, s10;
	s11 =	rddreg [dreg:$0x8]  }
0x14: {  	s10 =	sshrl.u32 s10, $0x3;
	s12 =	rddreg [dreg:$0x9]  }
0x15: {  	[spmem:s10@s8], [sflag:s12] =	dma.strided [hbm:s11@s9], $0xB50, s7, $0x10   }
0x16: {  	s11 =	simm.s32 $0x400;
	[dreg:$0xb] =	wrdreg s14  }
0x17: {  	[tilespmem:s2], [sflag:$0x1] =	stream.strided.gather [hbm4b:s14+s9], $0x6400, s11, s9, $0x38;
	[tilespmem:$0x1E100] =	vst v63  }
0x18: {  	s12 =	simm.s32 $0x6400;
	s24 =	rddreg [dreg:$0x6]  }
0x19: {  	[tilespmem:s12], [sflag:$0x2] =	stream.strided.gather [hbm4b:s24+s9], $0x6400, s11, s9, $0x38;
	[tilespmem:$0x1E100] =	vst v63  }
0x1a: {  	s13 =	simm.s32 $0xC800;
	s25 =	rddreg [dreg:$0x7]  }
0x1b: {  	[tilespmem:s13], [sflag:$0x3] =	stream.strided.gather [hbm4b:s25+s9], $0x6400, s11, s9, $0x38;
	[tilespmem:$0x1E100] =	vst v63  }
0x1c: {  	_ =	swait.ge [sflag:s7], $0x6400  }
0x1d: {  	[sflag:s7] =	ssyncset.done $0x0  }
0x1e: {  	s14 =	simm.s32 $0x2;
	[sflag:s7] =	ssyncadd.s32 $0xFFFF9C00  }
0x1f: {  	[hbm4b:s5+s9] =	stream.strided.scatter [tilespmem:s2], [sflag:$0x4], $0x6400, s11, s9, $0x38;
	[tilespmem:$0x1E100] =	vst v63  }
0x20: {  	_ =	swait.ge [sflag:s14], $0x6400  }
0x21: {  	[sflag:s14] =	ssyncset.done $0x0  }
0x22: {  	s15 =	simm.s32 $0x4;
	s16 =	rddreg [dreg:$0xa];
	[sflag:s14] =	ssyncadd.s32 $0xFFFF9C00  }
0x23: {  	[hbm4b:s16+s9] =	stream.strided.scatter [tilespmem:s12], [sflag:$0x5], $0x6400, s11, s9, $0x38;
	[tilespmem:$0x1E100] =	vst v63  }
0x24: {  	_ =	swait.ge [sflag:s15], $0x6400  }
0x25: {  	[sflag:s15] =	ssyncset.done $0x0  }
0x26: {  	s16 =	simm.s32 $0x3;
	[sflag:s15] =	ssyncadd.s32 $0xFFFF9C00  }
0x27: {  	[tilespmem:s2], [sflag:$0x1] =	stream.strided.gather [hbm4b:s4+s9], $0x6400, s11, s9, $0x38;
	[tilespmem:$0x1E100] =	vst v63  }
0x28: {  	_ =	swait.ge [sflag:s16], $0x6400  }
0x29: {  	s18 =	sadd.s32 $0xC800, s5;
	[sflag:s16] =	ssyncset.done $0x0  }
0x2a: {  	s17 =	simm.s32 $0x5;
	[dreg:$0xc] =	wrdreg s18;
	[sflag:s16] =	ssyncadd.s32 $0xFFFF9C00  }
0x2b: {  	[hbm4b:s18+s9] =	stream.strided.scatter [tilespmem:s13], [sflag:$0x6], $0x6400, s11, s9, $0x38;
	[tilespmem:$0x1E100] =	vst v63  }
0x2c: {  	_ =	swait.ge [sflag:s17], $0x6400  }
0x2d: {  	s26 =	sadd.s32 $0x6400, s4;
	[sflag:s17] =	ssyncset.done $0x0  }
0x2e: {  	[dreg:$0xd] =	wrdreg s26;
	[sflag:s17] =	ssyncadd.s32 $0xFFFF9C00  }
0x2f: {  	[tilespmem:s12], [sflag:$0x2] =	stream.strided.gather [hbm4b:s26+s9], $0x6400, s11, s9, $0x38;
	[tilespmem:$0x1E100] =	vst v63  }
0x30: {  	_ =	swait.ge [sflag:s7], $0x6400  }
0x31: {  	[sflag:s7] =	ssyncset.done $0x0  }
0x32: {  	s20 =	sadd.s32 s3, s20;
	s21 =	simm.s32 $0x6;
	[sflag:s7] =	ssyncadd.s32 $0xFFFF9C00  }
0x33: {  	[hbm4b:s20+s9] =	stream.strided.scatter [tilespmem:s2], [sflag:$0x4], $0x6400, s11, s9, $0x38;
	[tilespmem:$0x1E100] =	vst v63  }
0x34: {  	_ =	swait.ge [sflag:s21], $0x6400  }
0x35: {  	[sflag:s21] =	ssyncset.done $0x0  }
0x36: {  	s22 =	sadd.s32 $0xC800, s4;
	[sflag:s21] =	ssyncadd.s32 $0xFFFF9C00  }
0x37: {  	[tilespmem:s13], [sflag:$0x3] =	stream.strided.gather [hbm4b:s22+s9], $0x6400, s11, s9, $0x38;
	[tilespmem:$0x1E100] =	vst v63  }
0x38: {  	_ =	swait.ge [sflag:s14], $0x6400  }
0x39: {  	[sflag:s14] =	ssyncset.done $0x0  }
0x3a: {  	s23 =	sadd.s32 $0x6400, s20;
	[sflag:s14] =	ssyncadd.s32 $0xFFFF9C00  }
0x3b: {  	[hbm4b:s23+s9] =	stream.strided.scatter [tilespmem:s12], [sflag:$0x5], $0x6400, s11, s9, $0x38;
	[tilespmem:$0x1E100] =	vst v63  }
0x3c: {  	_ =	swait.ge [sflag:s16], $0x6400  }
0x3d: {  	[sflag:s16] =	ssyncset.done $0x0  }
0x3e: {  	s24 =	sadd.s32 $0xC800, s20;
	s25 =	simm.s32 $0x7;
	[sflag:s16] =	ssyncadd.s32 $0xFFFF9C00  }
0x3f: {  	[hbm4b:s24+s9] =	stream.strided.scatter [tilespmem:s13], [sflag:$0x6], $0x6400, s11, s9, $0x38;
	[tilespmem:$0x1E100] =	vst v63  }
0x40: {  	_ =	swait.ge [sflag:s25], $0xB50  }
0x41: {  	s29 =	simm.s32 $0x8;
	[sflag:s25] =	ssyncset.done $0x0  }
0x42: {  	s28 =	sor.u32 $0x1C09, s1;
	s26 =	sadd.s32 $0x12C00, s5;
	[sflag:s25] =	ssyncadd.s32 $0xFFFFF4B0  }
0x43: {  	[hbm:s26@s9], [sflag:s28] =	dma.strided [spmem:s6@s8], $0xB50, s7, $0x10   }
0x44: {  	_ =	swait.ge [sflag:s29], $0xB50  }
0x45: {  	[sflag:s29] =	ssyncset.done $0x0  }
0x46: {  	s30 =	sor.u32 $0x1C0A, s1;
	s31 =	sadd.s32 $0x12C00, s20;
	[sflag:s29] =	ssyncadd.s32 $0xFFFFF4B0  }
0x47: {  	[hbm:s31@s9], [sflag:s30] =	dma.strided [spmem:s10@s8], $0xB50, s7, $0x10   }
0x48: {  	_ =	swait.ge [sflag:s15], $0x6400  }
0x49: {  	[sflag:s15] =	ssyncset.done $0x0  }
0x4a: {  	s0 =	ssub.s32 $0x2, s0;
	[sflag:s15] =	ssyncadd.s32 $0xFFFF9C00  }
0x4b: {  	s19 =	sshrl.u32 s0, $0x1;
	_ =	swait.ge [sflag:s17], $0x6400  }
0x4c: {  	s0 =	ssub.s32 s0, s19;
	[sflag:s17] =	ssyncset.done $0x0  }
0x4d: {  	s0 =	smax.u32 s0, $0x1;
	[sflag:s17] =	ssyncadd.s32 $0xFFFF9C00  }
0x4e: {  	p0 =	sne.s32 s0, $0x1;
	_ =	swait.ge [sflag:s21], $0x6400  }
.Ltmp0:
0x4f: {  	[sflag:s21] =	ssyncset.done $0x0;
	(pc) =	sbr.rel @!p0 .LBB2_3-.Ltmp0, $4  }
0x50: {  	s1 =	simm.s32 $0x9;
	[sflag:s21] =	ssyncadd.s32 $0xFFFF9C00  }
0x51: {  	_ =	swait.ge [sflag:s1], $0xB50  }
0x52: {  	[sflag:s1] =	ssyncset.done $0x0  }
0x53: {  	s3 =	sadd.s32 $0xFFFFFFFF, s0;
	s0 =	simm.s32 $0xA;
	[sflag:s1] =	ssyncadd.s32 $0xFFFFF4B0  }
0x54: {  	s18 =	smov.u32 s4;
	s19 =	smov.u32 s5  }
.LBB2_2:
0x55: {  	_ =	swait.ge [sflag:s0], $0xB50  }
0x56: {  	s4 =	rddreg [dreg:$0x4];
	[sflag:s0] =	ssyncset.done $0x0  }
0x57: {  	s5 =	rddreg [dreg:$0x5];
	[sflag:s0] =	ssyncadd.s32 $0xFFFFF4B0  }
0x58: {  	[spmem:s6@s8], [sflag:s5] =	dma.strided [hbm:s4@s9], $0xB50, s7, $0x10   }
0x59: {  	s4 =	rddreg [dreg:$0x8]  }
0x5a: {  	s5 =	rddreg [dreg:$0x9]  }
0x5b: {  	[spmem:s10@s8], [sflag:s5] =	dma.strided [hbm:s4@s9], $0xB50, s7, $0x10   }
0x5c: {  	s4 =	rddreg [dreg:$0xb]  }
0x5d: {  	[tilespmem:s2], [sflag:$0x1] =	stream.strided.gather [hbm4b:s4+s9], $0x6400, s11, s9, $0x38;
	[tilespmem:$0x1E100] =	vst v63  }
0x5e: {  	s4 =	rddreg [dreg:$0x6]  }
0x5f: {  	[tilespmem:s12], [sflag:$0x2] =	stream.strided.gather [hbm4b:s4+s9], $0x6400, s11, s9, $0x38;
	[tilespmem:$0x1E100] =	vst v63  }
0x60: {  	s5 =	rddreg [dreg:$0x7]  }
0x61: {  	[tilespmem:s13], [sflag:$0x3] =	stream.strided.gather [hbm4b:s5+s9], $0x6400, s11, s9, $0x38;
	[tilespmem:$0x1E100] =	vst v63  }
0x62: {  	_ =	swait.ge [sflag:s7], $0x6400  }
0x63: {  	[sflag:s7] =	ssyncset.done $0x0  }
0x64: {  	[sflag:s7] =	ssyncadd.s32 $0xFFFF9C00  }
0x65: {  	[hbm4b:s19+s9] =	stream.strided.scatter [tilespmem:s2], [sflag:$0x4], $0x6400, s11, s9, $0x38;
	[tilespmem:$0x1E100] =	vst v63  }
0x66: {  	_ =	swait.ge [sflag:s14], $0x6400  }
0x67: {  	[sflag:s14] =	ssyncset.done $0x0  }
0x68: {  	s5 =	rddreg [dreg:$0xa];
	[sflag:s14] =	ssyncadd.s32 $0xFFFF9C00  }
0x69: {  	[hbm4b:s5+s9] =	stream.strided.scatter [tilespmem:s12], [sflag:$0x5], $0x6400, s11, s9, $0x38;
	[tilespmem:$0x1E100] =	vst v63  }
0x6a: {  	_ =	swait.ge [sflag:s15], $0x6400  }
0x6b: {  	[sflag:s15] =	ssyncset.done $0x0  }
0x6c: {  	[sflag:s15] =	ssyncadd.s32 $0xFFFF9C00  }
0x6d: {  	[tilespmem:s2], [sflag:$0x1] =	stream.strided.gather [hbm4b:s18+s9], $0x6400, s11, s9, $0x38;
	[tilespmem:$0x1E100] =	vst v63  }
0x6e: {  	_ =	swait.ge [sflag:s16], $0x6400  }
0x6f: {  	[sflag:s16] =	ssyncset.done $0x0  }
0x70: {  	s5 =	rddreg [dreg:$0xc];
	[sflag:s16] =	ssyncadd.s32 $0xFFFF9C00  }
0x71: {  	[hbm4b:s5+s9] =	stream.strided.scatter [tilespmem:s13], [sflag:$0x6], $0x6400, s11, s9, $0x38;
	[tilespmem:$0x1E100] =	vst v63  }
0x72: {  	_ =	swait.ge [sflag:s17], $0x6400  }
0x73: {  	[sflag:s17] =	ssyncset.done $0x0  }
0x74: {  	s5 =	rddreg [dreg:$0xd];
	[sflag:s17] =	ssyncadd.s32 $0xFFFF9C00  }
0x75: {  	[tilespmem:s12], [sflag:$0x2] =	stream.strided.gather [hbm4b:s5+s9], $0x6400, s11, s9, $0x38;
	[tilespmem:$0x1E100] =	vst v63  }
0x76: {  	_ =	swait.ge [sflag:s7], $0x6400  }
0x77: {  	[sflag:s7] =	ssyncset.done $0x0  }
0x78: {  	[sflag:s7] =	ssyncadd.s32 $0xFFFF9C00  }
0x79: {  	[hbm4b:s20+s9] =	stream.strided.scatter [tilespmem:s2], [sflag:$0x4], $0x6400, s11, s9, $0x38;
	[tilespmem:$0x1E100] =	vst v63  }
0x7a: {  	_ =	swait.ge [sflag:s21], $0x6400  }
0x7b: {  	[sflag:s21] =	ssyncset.done $0x0  }
0x7c: {  	[sflag:s21] =	ssyncadd.s32 $0xFFFF9C00  }
0x7d: {  	[tilespmem:s13], [sflag:$0x3] =	stream.strided.gather [hbm4b:s22+s9], $0x6400, s11, s9, $0x38;
	[tilespmem:$0x1E100] =	vst v63  }
0x7e: {  	_ =	swait.ge [sflag:s14], $0x6400  }
0x7f: {  	[sflag:s14] =	ssyncset.done $0x0  }
0x80: {  	[sflag:s14] =	ssyncadd.s32 $0xFFFF9C00  }
0x81: {  	[hbm4b:s23+s9] =	stream.strided.scatter [tilespmem:s12], [sflag:$0x5], $0x6400, s11, s9, $0x38;
	[tilespmem:$0x1E100] =	vst v63  }
0x82: {  	_ =	swait.ge [sflag:s16], $0x6400  }
0x83: {  	[sflag:s16] =	ssyncset.done $0x0  }
0x84: {  	[sflag:s16] =	ssyncadd.s32 $0xFFFF9C00  }
0x85: {  	[hbm4b:s24+s9] =	stream.strided.scatter [tilespmem:s13], [sflag:$0x6], $0x6400, s11, s9, $0x38;
	[tilespmem:$0x1E100] =	vst v63  }
0x86: {  	_ =	swait.ge [sflag:s25], $0xB50  }
0x87: {  	[sflag:s25] =	ssyncset.done $0x0  }
0x88: {  	[sflag:s25] =	ssyncadd.s32 $0xFFFFF4B0  }
0x89: {  	[hbm:s26@s9], [sflag:s28] =	dma.strided [spmem:s6@s8], $0xB50, s7, $0x10   }
0x8a: {  	_ =	swait.ge [sflag:s29], $0xB50  }
0x8b: {  	[sflag:s29] =	ssyncset.done $0x0  }
0x8c: {  	[sflag:s29] =	ssyncadd.s32 $0xFFFFF4B0  }
0x8d: {  	[hbm:s31@s9], [sflag:s30] =	dma.strided [spmem:s10@s8], $0xB50, s7, $0x10   }
0x8e: {  	_ =	swait.ge [sflag:s15], $0x6400  }
0x8f: {  	[sflag:s15] =	ssyncset.done $0x0  }
0x90: {  	[sflag:s15] =	ssyncadd.s32 $0xFFFF9C00  }
0x91: {  	_ =	swait.ge [sflag:s17], $0x6400  }
0x92: {  	[sflag:s17] =	ssyncset.done $0x0  }
0x93: {  	[sflag:s17] =	ssyncadd.s32 $0xFFFF9C00  }
0x94: {  	p0 =	sne.s32 s3, $0x1;
	_ =	swait.ge [sflag:s21], $0x6400  }
.Ltmp1:
0x95: {  	[sflag:s21] =	ssyncset.done $0x0;
	(pc) =	sbr.rel @p0 .LBB2_2-.Ltmp1, $4  }
0x96: {  	[sflag:s21] =	ssyncadd.s32 $0xFFFF9C00  }
0x97: {  	_ =	swait.ge [sflag:s1], $0xB50  }
0x98: {  	[sflag:s1] =	ssyncset.done $0x0  }
0x99: {  	s3 =	sadd.s32 $0xFFFFFFFF, s3;
	[sflag:s1] =	ssyncadd.s32 $0xFFFFF4B0  }
.LBB2_3:
0x9a: {  	_ =	swait.ge [sflag:s0], $0xB50  }
0x9b: {  	[sflag:s0] =	ssyncset.done $0x0  }
0x9c: {  	[sflag:s0] =	ssyncadd.s32 $0xFFFFF4B0  }
0x9d: {  	_ =	sfence.sel $0x180000  }
0x9e: {  	[bflag:$0x0] =	sbarrier.arrive $0xFFFF  }
0x9f: {  	_ =	strace $0x90000047  }
0xa0: {  	s31 =	stileid.u32;
	[bflag:$0x2] =	sbarrier.arrive $0xFFFF  }
0xa1: {  	p0 =	sne.s32 s31, $0x0;
	s0 =	rddreg [dreg:$0x3]  }
0xa2: {  	s0 =	sadd.s32 @!p0 $0x100000, s0  }
0xa3: {  	[sflag:s0] =	ssyncadd.tile.s32 @!p0 $0x1;
	_ =	shalt  }
.Lfunc_end2:
_tile_overlayer_lowered:
.L_overlay_start_2:
0xa4: {  	(tag) =	ssettag $0x2  }
0xa5: {  	s0 =	rddreg [dreg:$0x0];
	s2 =	stileid.u32  }
0xa6: {  	s1 =	rddreg [dreg:$0x1];
	p0 =	sne.s32 s2, $0x0  }
0xa7: {  	s3 =	rddreg [dreg:$0x2];
	[bflag:$0x3] =	sbarrier.arrive $0xFFFF;
	s2 =	simm.s32 @!p0 $0x1C0B  }
0xa8: {  	[timem:s3], [sflag:s2] =	dma.local @!p0 [hbm:s0], s1  }
0xa9: {  	s0 =	simm.s32 @!p0 $0xB  }
0xaa: {  	_ =	swait.ge @!p0 [sflag:s0], s1  }
0xab: {  	s1 =	ssub.s32 @!p0 $0x0, s1;
	[sflag:s0] =	ssyncset.done @!p0 $0x0  }
0xac: {  	[sflag:s0] =	ssyncadd.s32 @!p0 s1  }
0xad: {  	[bflag:$0x3] =	sbarrier.arrive $0xFFFF  }
0xae: {  	_ =	shalt  }

</sc_bundles>
